<compile_context>
chip_gen: v7x
topology: tpu7x:2x2x1
jax: 0.10.2.dev20260603
libtpu: 0.0.44.dev20260713+nightly
codegen_flags: <defaults>
</compile_context>

<pallas_src>
import functools

import jax
import jax.numpy as jnp
from jax import lax
from jax.experimental import pallas as pl
from jax.experimental.pallas import tpu as pltpu
from jax.experimental.pallas import tpu_sc as plsc

VOCAB = 100000
DIM = 64
BATCH = 4096
SEQ = 200
NC = 2
NS = 16
NW = NC * NS
BW = BATCH // NW
L = 16
NPAIR = SEQ // 2


@functools.partial(
    pl.kernel,
    mesh=plsc.VectorSubcoreMesh(core_axis_name="c", subcore_axis_name="s"),
    out_type=jax.ShapeDtypeStruct((SEQ, 8, 32, 8, 128), jnp.float32),
    scratch_types=[
        pltpu.VMEM((BW, SEQ), jnp.int32),
        pltpu.VMEM((SEQ * BW,), jnp.int32),
        pltpu.VMEM((2 * BW, DIM), jnp.float32),
        pltpu.VMEM((2 * BW, DIM), jnp.float32),
        pltpu.VMEM((8, 8, 133), jnp.float32),
        pltpu.VMEM((8, 8, 133), jnp.float32),
        pltpu.VMEM((8, 8, 133), jnp.float32),
        pltpu.VMEM((8, 8, 133), jnp.float32),
        pltpu.SemaphoreType.DMA,
        pltpu.SemaphoreType.DMA,
        pltpu.SemaphoreType.DMA,
        pltpu.SemaphoreType.DMA,
        pltpu.SemaphoreType.DMA,
        pltpu.SemaphoreType.DMA,
    ],
    compiler_params=pltpu.CompilerParams(
        use_tc_tiling_on_sc=False, needs_layout_passes=False),
)
def _gather_kernel(x_hbm, table_hbm, out_hbm, xbuf, ibuf, rows0, rows1,
                   tbuf0, tbuf1, tbuf2, tbuf3, sg0, sg1,
                   ss0, ss1, ss2, ss3):
    wid = lax.axis_index("s") * NC + lax.axis_index("c")
    lanes = lax.iota(jnp.int32, L)

    pltpu.sync_copy(x_hbm.at[pl.ds(wid * BW, BW)], xbuf)

    def build_idx(s, _):
        for g in range(BW // L):
            vals = plsc.load_gather(
                xbuf, [g * L + lanes, jnp.full((L,), s, jnp.int32)])
            ibuf[pl.ds(s * BW + g * L, L)] = vals
        return ()

    lax.fori_loop(0, SEQ, build_idx, ())

    def start_gather(s, rows, sem):
        pltpu.async_copy(
            table_hbm.at[ibuf.at[pl.ds(s * BW, 2 * BW)]], rows, sem)

    def wait_gather(s, rows, sem):
        pltpu.make_async_copy(
            table_hbm.at[ibuf.at[pl.ds(s * BW, 2 * BW)]], rows, sem).wait()

    dh_vecs = [(jnp.int32(dg * L) + lanes) // 8 for dg in range(DIM // L)]
    dl_vecs = [(jnp.int32(dg * L) + lanes) % 8 for dg in range(DIM // L)]

    def transpose(rows, half, tbuf):
        def tbody(i, _):
            pairs = [(4 * i + bi, dg)
                     for bi in range(4) for dg in range(DIM // L)]
            vals = [rows[half * BW + b, pl.ds(dg * L, L)]
                    for b, dg in pairs]
            for (b, dg), v in zip(pairs, vals):
                plsc.store_scatter(
                    tbuf, [dh_vecs[dg], dl_vecs[dg],
                           jnp.full((L,), b, jnp.int32)], v)
            return ()

        lax.fori_loop(0, BW // 4, tbody, ())

    def start_store(s, tbuf, sem):
        pltpu.async_copy(
            tbuf.at[:, :, pl.ds(0, 128)], out_hbm.at[s, :, wid, :, :], sem)

    def wait_store(s, tbuf, sem):
        pltpu.make_async_copy(
            tbuf.at[:, :, pl.ds(0, 128)], out_hbm.at[s, :, wid, :, :],
            sem).wait()

    tbufs = [tbuf0, tbuf1, tbuf2, tbuf3]
    sss = [ss0, ss1, ss2, ss3]

    start_gather(0, rows0, sg0)

    NQUAD = SEQ // 4

    def body(j, _):
        s0 = 4 * j
        start_gather(s0 + 2, rows1, sg1)

        wait_gather(s0, rows0, sg0)
        for k in (0, 1):
            @pl.when(j > 0)
            def _(k=k):
                wait_store(s0 + k - 4, tbufs[k], sss[k])
            transpose(rows0, k, tbufs[k])
            start_store(s0 + k, tbufs[k], sss[k])

        @pl.when(j < NQUAD - 1)
        def _():
            start_gather(s0 + 4, rows0, sg0)

        wait_gather(s0 + 2, rows1, sg1)
        for k in (2, 3):
            @pl.when(j > 0)
            def _(k=k):
                wait_store(s0 + k - 4, tbufs[k], sss[k])
            transpose(rows1, k - 2, tbufs[k])
            start_store(s0 + k, tbufs[k], sss[k])
        return ()

    lax.fori_loop(0, NQUAD, body, ())

    for k in range(4):
        wait_store(SEQ - 4 + k, tbufs[k], sss[k])


def kernel(x, table):
    out5 = _gather_kernel(x, table)
    return jnp.transpose(out5, (2, 4, 0, 1, 3)).reshape(BATCH, SEQ, DIM)

# --- scband reference (transcript-rebuilt; emitter-appended) ---
"""Pipeline reference for scband-text-embedding-5351529251399 (READ-ONLY COPY).

The authoritative reference and input builder live on the scoring server;
editing this copy changes nothing except your own understanding.
"""

import jax, jax.numpy as jnp
import numpy as np

VOCAB = 100000
DIM = 64
BATCH = 4096
SEQ = 200


def setup_inputs(seed: int = 0) -> dict:
    key = jax.random.key(seed)
    k1, k2 = jax.random.split(key)
    x = jax.random.randint(k1, (BATCH, SEQ), 0, VOCAB, dtype=jnp.int64 if jax.config.jax_enable_x64 else jnp.int32)
    table = jax.random.normal(k2, (VOCAB, DIM), dtype=jnp.float32) * 0.02
    return {"x": x, "table": table}


def reference(x, table):
    # nn.Embedding forward: gather rows of the embedding table by token id
    return jnp.take(table, x, axis=0)

if __name__ == "__main__":
    import jax
    _d = setup_inputs()
    print(jax.jit(kernel)(*tuple(_d.values())))

</pallas_src>

<mosaic_0001>
#map = affine_map<(d0, d1) -> (0, 0)>
#map1 = affine_map<(d0, d1) -> (0, 0, 0, 0, 0)>
module attributes {stable_mosaic.version = 14 : i64} {
  func.func @_gather_kernel(%arg0: i32, %arg1: i32, %arg2: memref<4096x200xi32, #tpu.memory_space<hbm>>, %arg3: memref<100000x64xf32, #tpu.memory_space<hbm>>, %arg4: memref<200x8x32x8x128xf32, #tpu.memory_space<hbm>>, %arg5: memref<128x200xi32, #tpu.memory_space<vmem>>, %arg6: memref<25600xi32, #tpu.memory_space<vmem>>, %arg7: memref<256x64xf32, #tpu.memory_space<vmem>>, %arg8: memref<256x64xf32, #tpu.memory_space<vmem>>, %arg9: memref<8x8x133xf32, #tpu.memory_space<vmem>>, %arg10: memref<8x8x133xf32, #tpu.memory_space<vmem>>, %arg11: memref<8x8x133xf32, #tpu.memory_space<vmem>>, %arg12: memref<8x8x133xf32, #tpu.memory_space<vmem>>, %arg13: memref<!tpu.dma_semaphore, #tpu.memory_space<semaphore_mem>>, %arg14: memref<!tpu.dma_semaphore, #tpu.memory_space<semaphore_mem>>, %arg15: memref<!tpu.dma_semaphore, #tpu.memory_space<semaphore_mem>>, %arg16: memref<!tpu.dma_semaphore, #tpu.memory_space<semaphore_mem>>, %arg17: memref<!tpu.dma_semaphore, #tpu.memory_space<semaphore_mem>>, %arg18: memref<!tpu.dma_semaphore, #tpu.memory_space<semaphore_mem>>) attributes {dimension_semantics = [#tpu.dimension_semantics<core_parallel>, #tpu.dimension_semantics<subcore_parallel>], iteration_bounds = array<i64: 2, 16>, scalar_prefetch = 0 : i64, scratch_operands = 14 : i64, tpu.core_type = #tpu.core_type<sc_vector_subcore>, window_params = [{transform_indices = #map}, {transform_indices = #map}, {transform_indices = #map1}]} {
    %mul3A = arith.constant 2 : i32
    %mul3A_0 = arith.muli %arg1, %mul3A : i32
    %add3A = arith.addi %mul3A_0, %arg0 : i32
    %iota3A = tpu.iota {dimensions = array<i32: 0>} : vector<16xi32>
    %mul3A_1 = arith.constant 128 : i32
    %mul3A_2 = arith.muli %add3A, %mul3A_1 : i32
    "tpu.region"() ({
      %run_scoped3A = tpu.sem_alloc : memref<!tpu.dma_semaphore, #tpu.memory_space<semaphore_mem>>
      %dma_start3A_317 = arith.constant 0 : i32
      %dma_start3A_318 = tpu.memref_slice %arg2[%mul3A_2, %dma_start3A_317] : memref<4096x200xi32, #tpu.memory_space<hbm>> -> memref<128x200xi32, #tpu.memory_space<hbm>>
      %dma_start3A_319 = arith.constant 0 : i32
      %dma_start3A_320 = tpu.memref_slice %arg2[%mul3A_2, %dma_start3A_319] : memref<4096x200xi32, #tpu.memory_space<hbm>> -> memref<128x200xi32, #tpu.memory_space<hbm>>
      tpu.enqueue_dma source(%dma_start3A_320 : memref<128x200xi32, #tpu.memory_space<hbm>>) target(%arg5 : memref<128x200xi32, #tpu.memory_space<vmem>>) target_semaphore(%run_scoped3A : memref<!tpu.dma_semaphore, #tpu.memory_space<semaphore_mem>>)
      %dma_wait3A_321 = arith.constant 0 : i32
      %dma_wait3A_322 = tpu.memref_slice %arg2[%mul3A_2, %dma_wait3A_321] : memref<4096x200xi32, #tpu.memory_space<hbm>> -> memref<128x200xi32, #tpu.memory_space<hbm>>
      %dma_wait3A_323 = arith.constant 0 : i32
      %dma_wait3A_324 = tpu.memref_slice %arg2[%mul3A_2, %dma_wait3A_323] : memref<4096x200xi32, #tpu.memory_space<hbm>> -> memref<128x200xi32, #tpu.memory_space<hbm>>
      tpu.wait_dma2 semaphore(%run_scoped3A : memref<!tpu.dma_semaphore, #tpu.memory_space<semaphore_mem>>) src(%dma_wait3A_324 : memref<128x200xi32, #tpu.memory_space<hbm>>) dst(%arg5 : memref<128x200xi32, #tpu.memory_space<vmem>>)
      tpu.yield
    }) : () -> ()
    %scan3A = arith.constant 0 : i32
    %scan3A_3 = arith.constant 200 : i32
    %scan3A_4 = arith.addi %scan3A, %scan3A_3 : i32
    %scan3A_5 = arith.constant 1 : i32
    scf.for %scan3A_317 = %scan3A to %scan3A_4 step %scan3A_5  : i32 {
      %add3A_318 = arith.constant 0 : i32
      %add3A_319 = vector.broadcast %add3A_318 : i32 to vector<16xi32>
      %add3A_320 = arith.addi %add3A_319, %iota3A : vector<16xi32>
      %broadcast_in_dim3A = vector.broadcast %scan3A_317 : i32 to vector<16xi32>
      %gather3A = tpu.vector_load_idx %arg5[%add3A_320, %broadcast_in_dim3A] : memref<128x200xi32, #tpu.memory_space<vmem>>[vector<16xi32>, vector<16xi32>], vector<16xi32>,
      %mul3A_321 = arith.constant 128 : i32
      %mul3A_322 = arith.muli %scan3A_317, %mul3A_321 : i32
      %add3A_323 = arith.constant 0 : i32
      %add3A_324 = arith.addi %mul3A_322, %add3A_323 : i32
      %swap3A = arith.index_cast %add3A_324 : i32 to index
      %swap3A_325 = tpu.vector_load %arg6[%swap3A] {strides = array<i32>} : memref<25600xi32, #tpu.memory_space<vmem>>, vector<16xi32>,
      tpu.vector_store %arg6[%swap3A], %gather3A {strides = array<i32>} : memref<25600xi32, #tpu.memory_space<vmem>>, vector<16xi32>,
      %add3A_326 = arith.constant 16 : i32
      %add3A_327 = vector.broadcast %add3A_326 : i32 to vector<16xi32>
      %add3A_328 = arith.addi %add3A_327, %iota3A : vector<16xi32>
      %broadcast_in_dim3A_329 = vector.broadcast %scan3A_317 : i32 to vector<16xi32>
      %gather3A_330 = tpu.vector_load_idx %arg5[%add3A_328, %broadcast_in_dim3A_329] : memref<128x200xi32, #tpu.memory_space<vmem>>[vector<16xi32>, vector<16xi32>], vector<16xi32>,
      %mul3A_331 = arith.constant 128 : i32
      %mul3A_332 = arith.muli %scan3A_317, %mul3A_331 : i32
      %add3A_333 = arith.constant 16 : i32
      %add3A_334 = arith.addi %mul3A_332, %add3A_333 : i32
      %swap3A_335 = arith.index_cast %add3A_334 : i32 to index
      %swap3A_336 = tpu.vector_load %arg6[%swap3A_335] {strides = array<i32>} : memref<25600xi32, #tpu.memory_space<vmem>>, vector<16xi32>,
      tpu.vector_store %arg6[%swap3A_335], %gather3A_330 {strides = array<i32>} : memref<25600xi32, #tpu.memory_space<vmem>>, vector<16xi32>,
      %add3A_337 = arith.constant 32 : i32
      %add3A_338 = vector.broadcast %add3A_337 : i32 to vector<16xi32>
      %add3A_339 = arith.addi %add3A_338, %iota3A : vector<16xi32>
      %broadcast_in_dim3A_340 = vector.broadcast %scan3A_317 : i32 to vector<16xi32>
      %gather3A_341 = tpu.vector_load_idx %arg5[%add3A_339, %broadcast_in_dim3A_340] : memref<128x200xi32, #tpu.memory_space<vmem>>[vector<16xi32>, vector<16xi32>], vector<16xi32>,
      %mul3A_342 = arith.constant 128 : i32
      %mul3A_343 = arith.muli %scan3A_317, %mul3A_342 : i32
      %add3A_344 = arith.constant 32 : i32
      %add3A_345 = arith.addi %mul3A_343, %add3A_344 : i32
      %swap3A_346 = arith.index_cast %add3A_345 : i32 to index
      %swap3A_347 = tpu.vector_load %arg6[%swap3A_346] {strides = array<i32>} : memref<25600xi32, #tpu.memory_space<vmem>>, vector<16xi32>,
      tpu.vector_store %arg6[%swap3A_346], %gather3A_341 {strides = array<i32>} : memref<25600xi32, #tpu.memory_space<vmem>>, vector<16xi32>,
      %add3A_348 = arith.constant 48 : i32
      %add3A_349 = vector.broadcast %add3A_348 : i32 to vector<16xi32>
      %add3A_350 = arith.addi %add3A_349, %iota3A : vector<16xi32>
      %broadcast_in_dim3A_351 = vector.broadcast %scan3A_317 : i32 to vector<16xi32>
      %gather3A_352 = tpu.vector_load_idx %arg5[%add3A_350, %broadcast_in_dim3A_351] : memref<128x200xi32, #tpu.memory_space<vmem>>[vector<16xi32>, vector<16xi32>], vector<16xi32>,
      %mul3A_353 = arith.constant 128 : i32
      %mul3A_354 = arith.muli %scan3A_317, %mul3A_353 : i32
      %add3A_355 = arith.constant 48 : i32
      %add3A_356 = arith.addi %mul3A_354, %add3A_355 : i32
      %swap3A_357 = arith.index_cast %add3A_356 : i32 to index
      %swap3A_358 = tpu.vector_load %arg6[%swap3A_357] {strides = array<i32>} : memref<25600xi32, #tpu.memory_space<vmem>>, vector<16xi32>,
      tpu.vector_store %arg6[%swap3A_357], %gather3A_352 {strides = array<i32>} : memref<25600xi32, #tpu.memory_space<vmem>>, vector<16xi32>,
      %add3A_359 = arith.constant 64 : i32
      %add3A_360 = vector.broadcast %add3A_359 : i32 to vector<16xi32>
      %add3A_361 = arith.addi %add3A_360, %iota3A : vector<16xi32>
      %broadcast_in_dim3A_362 = vector.broadcast %scan3A_317 : i32 to vector<16xi32>
      %gather3A_363 = tpu.vector_load_idx %arg5[%add3A_361, %broadcast_in_dim3A_362] : memref<128x200xi32, #tpu.memory_space<vmem>>[vector<16xi32>, vector<16xi32>], vector<16xi32>,
      %mul3A_364 = arith.constant 128 : i32
      %mul3A_365 = arith.muli %scan3A_317, %mul3A_364 : i32
      %add3A_366 = arith.constant 64 : i32
      %add3A_367 = arith.addi %mul3A_365, %add3A_366 : i32
      %swap3A_368 = arith.index_cast %add3A_367 : i32 to index
      %swap3A_369 = tpu.vector_load %arg6[%swap3A_368] {strides = array<i32>} : memref<25600xi32, #tpu.memory_space<vmem>>, vector<16xi32>,
      tpu.vector_store %arg6[%swap3A_368], %gather3A_363 {strides = array<i32>} : memref<25600xi32, #tpu.memory_space<vmem>>, vector<16xi32>,
      %add3A_370 = arith.constant 80 : i32
      %add3A_371 = vector.broadcast %add3A_370 : i32 to vector<16xi32>
      %add3A_372 = arith.addi %add3A_371, %iota3A : vector<16xi32>
      %broadcast_in_dim3A_373 = vector.broadcast %scan3A_317 : i32 to vector<16xi32>
      %gather3A_374 = tpu.vector_load_idx %arg5[%add3A_372, %broadcast_in_dim3A_373] : memref<128x200xi32, #tpu.memory_space<vmem>>[vector<16xi32>, vector<16xi32>], vector<16xi32>,
      %mul3A_375 = arith.constant 128 : i32
      %mul3A_376 = arith.muli %scan3A_317, %mul3A_375 : i32
      %add3A_377 = arith.constant 80 : i32
      %add3A_378 = arith.addi %mul3A_376, %add3A_377 : i32
      %swap3A_379 = arith.index_cast %add3A_378 : i32 to index
      %swap3A_380 = tpu.vector_load %arg6[%swap3A_379] {strides = array<i32>} : memref<25600xi32, #tpu.memory_space<vmem>>, vector<16xi32>,
      tpu.vector_store %arg6[%swap3A_379], %gather3A_374 {strides = array<i32>} : memref<25600xi32, #tpu.memory_space<vmem>>, vector<16xi32>,
      %add3A_381 = arith.constant 96 : i32
      %add3A_382 = vector.broadcast %add3A_381 : i32 to vector<16xi32>
      %add3A_383 = arith.addi %add3A_382, %iota3A : vector<16xi32>
      %broadcast_in_dim3A_384 = vector.broadcast %scan3A_317 : i32 to vector<16xi32>
      %gather3A_385 = tpu.vector_load_idx %arg5[%add3A_383, %broadcast_in_dim3A_384] : memref<128x200xi32, #tpu.memory_space<vmem>>[vector<16xi32>, vector<16xi32>], vector<16xi32>,
      %mul3A_386 = arith.constant 128 : i32
      %mul3A_387 = arith.muli %scan3A_317, %mul3A_386 : i32
      %add3A_388 = arith.constant 96 : i32
      %add3A_389 = arith.addi %mul3A_387, %add3A_388 : i32
      %swap3A_390 = arith.index_cast %add3A_389 : i32 to index
      %swap3A_391 = tpu.vector_load %arg6[%swap3A_390] {strides = array<i32>} : memref<25600xi32, #tpu.memory_space<vmem>>, vector<16xi32>,
      tpu.vector_store %arg6[%swap3A_390], %gather3A_385 {strides = array<i32>} : memref<25600xi32, #tpu.memory_space<vmem>>, vector<16xi32>,
      %add3A_392 = arith.constant 112 : i32
      %add3A_393 = vector.broadcast %add3A_392 : i32 to vector<16xi32>
      %add3A_394 = arith.addi %add3A_393, %iota3A : vector<16xi32>
      %broadcast_in_dim3A_395 = vector.broadcast %scan3A_317 : i32 to vector<16xi32>
      %gather3A_396 = tpu.vector_load_idx %arg5[%add3A_394, %broadcast_in_dim3A_395] : memref<128x200xi32, #tpu.memory_space<vmem>>[vector<16xi32>, vector<16xi32>], vector<16xi32>,
      %mul3A_397 = arith.constant 128 : i32
      %mul3A_398 = arith.muli %scan3A_317, %mul3A_397 : i32
      %add3A_399 = arith.constant 112 : i32
      %add3A_400 = arith.addi %mul3A_398, %add3A_399 : i32
      %swap3A_401 = arith.index_cast %add3A_400 : i32 to index
      %swap3A_402 = tpu.vector_load %arg6[%swap3A_401] {strides = array<i32>} : memref<25600xi32, #tpu.memory_space<vmem>>, vector<16xi32>,
      tpu.vector_store %arg6[%swap3A_401], %gather3A_396 {strides = array<i32>} : memref<25600xi32, #tpu.memory_space<vmem>>, vector<16xi32>,
    }
    %scan3A_6 = arith.constant 200 : i32
    %add3A_7 = arith.constant 0 : i32
    %add3A_8 = vector.broadcast %add3A_7 : i32 to vector<16xi32>
    %add3A_9 = arith.addi %add3A_8, %iota3A : vector<16xi32>
    %jit3A = arith.constant 8 : i32
    %div3A = vector.broadcast %jit3A : i32 to vector<16xi32>
    %div3A_10 = arith.divsi %add3A_9, %div3A : vector<16xi32>
    %sign3A = arith.constant 0 : i32
    %sign3A_11 = vector.broadcast %sign3A : i32 to vector<16xi32>
    %sign3A_12 = arith.cmpi sgt, %add3A_9, %sign3A_11 : vector<16xi32>
    %sign3A_13 = arith.extui %sign3A_12 : vector<16xi1> to vector<16xi32>
    %sign3A_14 = arith.constant 0 : i32
    %sign3A_15 = vector.broadcast %sign3A_14 : i32 to vector<16xi32>
    %sign3A_16 = arith.cmpi slt, %add3A_9, %sign3A_15 : vector<16xi32>
    %sign3A_17 = arith.extui %sign3A_16 : vector<16xi1> to vector<16xi32>
    %sign3A_18 = arith.subi %sign3A_13, %sign3A_17 : vector<16xi32>
    %sign3A_19 = arith.constant 0 : i32
    %sign3A_20 = arith.cmpi sgt, %jit3A, %sign3A_19 : i32
    %sign3A_21 = arith.extui %sign3A_20 : i1 to i32
    %sign3A_22 = arith.constant 0 : i32
    %sign3A_23 = arith.cmpi slt, %jit3A, %sign3A_22 : i32
    %sign3A_24 = arith.extui %sign3A_23 : i1 to i32
    %sign3A_25 = arith.subi %sign3A_21, %sign3A_24 : i32
    %ne3A = vector.broadcast %sign3A_25 : i32 to vector<16xi32>
    %ne3A_26 = arith.cmpi ne, %sign3A_18, %ne3A : vector<16xi32>
    %rem3A = vector.broadcast %jit3A : i32 to vector<16xi32>
    %rem3A_27 = arith.remsi %add3A_9, %rem3A : vector<16xi32>
    %ne3A_28 = arith.constant 0 : i32
    %ne3A_29 = vector.broadcast %ne3A_28 : i32 to vector<16xi32>
    %ne3A_30 = arith.cmpi ne, %rem3A_27, %ne3A_29 : vector<16xi32>
    %and3A = arith.andi %ne3A_26, %ne3A_30 : vector<16xi1>
    %sub3A = arith.constant 1 : i32
    %sub3A_31 = vector.broadcast %sub3A : i32 to vector<16xi32>
    %sub3A_32 = arith.subi %div3A_10, %sub3A_31 : vector<16xi32>
    %select_n3A = arith.select %and3A, %sub3A_32, %div3A_10 : vector<16xi1>, vector<16xi32>
    %add3A_33 = arith.constant 16 : i32
    %add3A_34 = vector.broadcast %add3A_33 : i32 to vector<16xi32>
    %add3A_35 = arith.addi %add3A_34, %iota3A : vector<16xi32>
    %jit3A_36 = arith.constant 8 : i32
    %div3A_37 = vector.broadcast %jit3A_36 : i32 to vector<16xi32>
    %div3A_38 = arith.divsi %add3A_35, %div3A_37 : vector<16xi32>
    %sign3A_39 = arith.constant 0 : i32
    %sign3A_40 = vector.broadcast %sign3A_39 : i32 to vector<16xi32>
    %sign3A_41 = arith.cmpi sgt, %add3A_35, %sign3A_40 : vector<16xi32>
    %sign3A_42 = arith.extui %sign3A_41 : vector<16xi1> to vector<16xi32>
    %sign3A_43 = arith.constant 0 : i32
    %sign3A_44 = vector.broadcast %sign3A_43 : i32 to vector<16xi32>
    %sign3A_45 = arith.cmpi slt, %add3A_35, %sign3A_44 : vector<16xi32>
    %sign3A_46 = arith.extui %sign3A_45 : vector<16xi1> to vector<16xi32>
    %sign3A_47 = arith.subi %sign3A_42, %sign3A_46 : vector<16xi32>
    %sign3A_48 = arith.constant 0 : i32
    %sign3A_49 = arith.cmpi sgt, %jit3A_36, %sign3A_48 : i32
    %sign3A_50 = arith.extui %sign3A_49 : i1 to i32
    %sign3A_51 = arith.constant 0 : i32
    %sign3A_52 = arith.cmpi slt, %jit3A_36, %sign3A_51 : i32
    %sign3A_53 = arith.extui %sign3A_52 : i1 to i32
    %sign3A_54 = arith.subi %sign3A_50, %sign3A_53 : i32
    %ne3A_55 = vector.broadcast %sign3A_54 : i32 to vector<16xi32>
    %ne3A_56 = arith.cmpi ne, %sign3A_47, %ne3A_55 : vector<16xi32>
    %rem3A_57 = vector.broadcast %jit3A_36 : i32 to vector<16xi32>
    %rem3A_58 = arith.remsi %add3A_35, %rem3A_57 : vector<16xi32>
    %ne3A_59 = arith.constant 0 : i32
    %ne3A_60 = vector.broadcast %ne3A_59 : i32 to vector<16xi32>
    %ne3A_61 = arith.cmpi ne, %rem3A_58, %ne3A_60 : vector<16xi32>
    %and3A_62 = arith.andi %ne3A_56, %ne3A_61 : vector<16xi1>
    %sub3A_63 = arith.constant 1 : i32
    %sub3A_64 = vector.broadcast %sub3A_63 : i32 to vector<16xi32>
    %sub3A_65 = arith.subi %div3A_38, %sub3A_64 : vector<16xi32>
    %select_n3A_66 = arith.select %and3A_62, %sub3A_65, %div3A_38 : vector<16xi1>, vector<16xi32>
    %add3A_67 = arith.constant 32 : i32
    %add3A_68 = vector.broadcast %add3A_67 : i32 to vector<16xi32>
    %add3A_69 = arith.addi %add3A_68, %iota3A : vector<16xi32>
    %jit3A_70 = arith.constant 8 : i32
    %div3A_71 = vector.broadcast %jit3A_70 : i32 to vector<16xi32>
    %div3A_72 = arith.divsi %add3A_69, %div3A_71 : vector<16xi32>
    %sign3A_73 = arith.constant 0 : i32
    %sign3A_74 = vector.broadcast %sign3A_73 : i32 to vector<16xi32>
    %sign3A_75 = arith.cmpi sgt, %add3A_69, %sign3A_74 : vector<16xi32>
    %sign3A_76 = arith.extui %sign3A_75 : vector<16xi1> to vector<16xi32>
    %sign3A_77 = arith.constant 0 : i32
    %sign3A_78 = vector.broadcast %sign3A_77 : i32 to vector<16xi32>
    %sign3A_79 = arith.cmpi slt, %add3A_69, %sign3A_78 : vector<16xi32>
    %sign3A_80 = arith.extui %sign3A_79 : vector<16xi1> to vector<16xi32>
    %sign3A_81 = arith.subi %sign3A_76, %sign3A_80 : vector<16xi32>
    %sign3A_82 = arith.constant 0 : i32
    %sign3A_83 = arith.cmpi sgt, %jit3A_70, %sign3A_82 : i32
    %sign3A_84 = arith.extui %sign3A_83 : i1 to i32
    %sign3A_85 = arith.constant 0 : i32
    %sign3A_86 = arith.cmpi slt, %jit3A_70, %sign3A_85 : i32
    %sign3A_87 = arith.extui %sign3A_86 : i1 to i32
    %sign3A_88 = arith.subi %sign3A_84, %sign3A_87 : i32
    %ne3A_89 = vector.broadcast %sign3A_88 : i32 to vector<16xi32>
    %ne3A_90 = arith.cmpi ne, %sign3A_81, %ne3A_89 : vector<16xi32>
    %rem3A_91 = vector.broadcast %jit3A_70 : i32 to vector<16xi32>
    %rem3A_92 = arith.remsi %add3A_69, %rem3A_91 : vector<16xi32>
    %ne3A_93 = arith.constant 0 : i32
    %ne3A_94 = vector.broadcast %ne3A_93 : i32 to vector<16xi32>
    %ne3A_95 = arith.cmpi ne, %rem3A_92, %ne3A_94 : vector<16xi32>
    %and3A_96 = arith.andi %ne3A_90, %ne3A_95 : vector<16xi1>
    %sub3A_97 = arith.constant 1 : i32
    %sub3A_98 = vector.broadcast %sub3A_97 : i32 to vector<16xi32>
    %sub3A_99 = arith.subi %div3A_72, %sub3A_98 : vector<16xi32>
    %select_n3A_100 = arith.select %and3A_96, %sub3A_99, %div3A_72 : vector<16xi1>, vector<16xi32>
    %add3A_101 = arith.constant 48 : i32
    %add3A_102 = vector.broadcast %add3A_101 : i32 to vector<16xi32>
    %add3A_103 = arith.addi %add3A_102, %iota3A : vector<16xi32>
    %jit3A_104 = arith.constant 8 : i32
    %div3A_105 = vector.broadcast %jit3A_104 : i32 to vector<16xi32>
    %div3A_106 = arith.divsi %add3A_103, %div3A_105 : vector<16xi32>
    %sign3A_107 = arith.constant 0 : i32
    %sign3A_108 = vector.broadcast %sign3A_107 : i32 to vector<16xi32>
    %sign3A_109 = arith.cmpi sgt, %add3A_103, %sign3A_108 : vector<16xi32>
    %sign3A_110 = arith.extui %sign3A_109 : vector<16xi1> to vector<16xi32>
    %sign3A_111 = arith.constant 0 : i32
    %sign3A_112 = vector.broadcast %sign3A_111 : i32 to vector<16xi32>
    %sign3A_113 = arith.cmpi slt, %add3A_103, %sign3A_112 : vector<16xi32>
    %sign3A_114 = arith.extui %sign3A_113 : vector<16xi1> to vector<16xi32>
    %sign3A_115 = arith.subi %sign3A_110, %sign3A_114 : vector<16xi32>
    %sign3A_116 = arith.constant 0 : i32
    %sign3A_117 = arith.cmpi sgt, %jit3A_104, %sign3A_116 : i32
    %sign3A_118 = arith.extui %sign3A_117 : i1 to i32
    %sign3A_119 = arith.constant 0 : i32
    %sign3A_120 = arith.cmpi slt, %jit3A_104, %sign3A_119 : i32
    %sign3A_121 = arith.extui %sign3A_120 : i1 to i32
    %sign3A_122 = arith.subi %sign3A_118, %sign3A_121 : i32
    %ne3A_123 = vector.broadcast %sign3A_122 : i32 to vector<16xi32>
    %ne3A_124 = arith.cmpi ne, %sign3A_115, %ne3A_123 : vector<16xi32>
    %rem3A_125 = vector.broadcast %jit3A_104 : i32 to vector<16xi32>
    %rem3A_126 = arith.remsi %add3A_103, %rem3A_125 : vector<16xi32>
    %ne3A_127 = arith.constant 0 : i32
    %ne3A_128 = vector.broadcast %ne3A_127 : i32 to vector<16xi32>
    %ne3A_129 = arith.cmpi ne, %rem3A_126, %ne3A_128 : vector<16xi32>
    %and3A_130 = arith.andi %ne3A_124, %ne3A_129 : vector<16xi1>
    %sub3A_131 = arith.constant 1 : i32
    %sub3A_132 = vector.broadcast %sub3A_131 : i32 to vector<16xi32>
    %sub3A_133 = arith.subi %div3A_106, %sub3A_132 : vector<16xi32>
    %select_n3A_134 = arith.select %and3A_130, %sub3A_133, %div3A_106 : vector<16xi1>, vector<16xi32>
    %add3A_135 = arith.constant 0 : i32
    %add3A_136 = vector.broadcast %add3A_135 : i32 to vector<16xi32>
    %add3A_137 = arith.addi %add3A_136, %iota3A : vector<16xi32>
    %jit3A_138 = arith.constant 8 : i32
    %eq3A = arith.constant 0 : i32
    %eq3A_139 = arith.cmpi eq, %jit3A_138, %eq3A : i32
    %jit3A_140 = arith.constant 1 : i32
    %select_n3A_141 = arith.select %eq3A_139, %jit3A_140, %jit3A_138 : i32
    %rem3A_142 = vector.broadcast %select_n3A_141 : i32 to vector<16xi32>
    %rem3A_143 = arith.remsi %add3A_137, %rem3A_142 : vector<16xi32>
    %ne3A_144 = arith.constant 0 : i32
    %ne3A_145 = vector.broadcast %ne3A_144 : i32 to vector<16xi32>
    %ne3A_146 = arith.cmpi ne, %rem3A_143, %ne3A_145 : vector<16xi32>
    %lt3A = arith.constant 0 : i32
    %lt3A_147 = vector.broadcast %lt3A : i32 to vector<16xi32>
    %lt3A_148 = arith.cmpi slt, %rem3A_143, %lt3A_147 : vector<16xi32>
    %lt3A_149 = arith.constant 0 : i32
    %lt3A_150 = arith.cmpi slt, %select_n3A_141, %lt3A_149 : i32
    %ne3A_151 = vector.broadcast %lt3A_150 : i1 to vector<16xi1>
    %ne3A_152 = vector.broadcast %ne3A_151 : vector<16xi1> to vector<16xi1>
    %ne3A_153 = arith.xori %lt3A_148, %ne3A_152 : vector<16xi1>
    %and3A_154 = arith.andi %ne3A_153, %ne3A_146 : vector<16xi1>
    %add3A_155 = vector.broadcast %select_n3A_141 : i32 to vector<16xi32>
    %add3A_156 = arith.addi %rem3A_143, %add3A_155 : vector<16xi32>
    %select_n3A_157 = arith.select %and3A_154, %add3A_156, %rem3A_143 : vector<16xi1>, vector<16xi32>
    %add3A_158 = arith.constant 16 : i32
    %add3A_159 = vector.broadcast %add3A_158 : i32 to vector<16xi32>
    %add3A_160 = arith.addi %add3A_159, %iota3A : vector<16xi32>
    %jit3A_161 = arith.constant 8 : i32
    %eq3A_162 = arith.constant 0 : i32
    %eq3A_163 = arith.cmpi eq, %jit3A_161, %eq3A_162 : i32
    %jit3A_164 = arith.constant 1 : i32
    %select_n3A_165 = arith.select %eq3A_163, %jit3A_164, %jit3A_161 : i32
    %rem3A_166 = vector.broadcast %select_n3A_165 : i32 to vector<16xi32>
    %rem3A_167 = arith.remsi %add3A_160, %rem3A_166 : vector<16xi32>
    %ne3A_168 = arith.constant 0 : i32
    %ne3A_169 = vector.broadcast %ne3A_168 : i32 to vector<16xi32>
    %ne3A_170 = arith.cmpi ne, %rem3A_167, %ne3A_169 : vector<16xi32>
    %lt3A_171 = arith.constant 0 : i32
    %lt3A_172 = vector.broadcast %lt3A_171 : i32 to vector<16xi32>
    %lt3A_173 = arith.cmpi slt, %rem3A_167, %lt3A_172 : vector<16xi32>
    %lt3A_174 = arith.constant 0 : i32
    %lt3A_175 = arith.cmpi slt, %select_n3A_165, %lt3A_174 : i32
    %ne3A_176 = vector.broadcast %lt3A_175 : i1 to vector<16xi1>
    %ne3A_177 = vector.broadcast %ne3A_176 : vector<16xi1> to vector<16xi1>
    %ne3A_178 = arith.xori %lt3A_173, %ne3A_177 : vector<16xi1>
    %and3A_179 = arith.andi %ne3A_178, %ne3A_170 : vector<16xi1>
    %add3A_180 = vector.broadcast %select_n3A_165 : i32 to vector<16xi32>
    %add3A_181 = arith.addi %rem3A_167, %add3A_180 : vector<16xi32>
    %select_n3A_182 = arith.select %and3A_179, %add3A_181, %rem3A_167 : vector<16xi1>, vector<16xi32>
    %add3A_183 = arith.constant 32 : i32
    %add3A_184 = vector.broadcast %add3A_183 : i32 to vector<16xi32>
    %add3A_185 = arith.addi %add3A_184, %iota3A : vector<16xi32>
    %jit3A_186 = arith.constant 8 : i32
    %eq3A_187 = arith.constant 0 : i32
    %eq3A_188 = arith.cmpi eq, %jit3A_186, %eq3A_187 : i32
    %jit3A_189 = arith.constant 1 : i32
    %select_n3A_190 = arith.select %eq3A_188, %jit3A_189, %jit3A_186 : i32
    %rem3A_191 = vector.broadcast %select_n3A_190 : i32 to vector<16xi32>
    %rem3A_192 = arith.remsi %add3A_185, %rem3A_191 : vector<16xi32>
    %ne3A_193 = arith.constant 0 : i32
    %ne3A_194 = vector.broadcast %ne3A_193 : i32 to vector<16xi32>
    %ne3A_195 = arith.cmpi ne, %rem3A_192, %ne3A_194 : vector<16xi32>
    %lt3A_196 = arith.constant 0 : i32
    %lt3A_197 = vector.broadcast %lt3A_196 : i32 to vector<16xi32>
    %lt3A_198 = arith.cmpi slt, %rem3A_192, %lt3A_197 : vector<16xi32>
    %lt3A_199 = arith.constant 0 : i32
    %lt3A_200 = arith.cmpi slt, %select_n3A_190, %lt3A_199 : i32
    %ne3A_201 = vector.broadcast %lt3A_200 : i1 to vector<16xi1>
    %ne3A_202 = vector.broadcast %ne3A_201 : vector<16xi1> to vector<16xi1>
    %ne3A_203 = arith.xori %lt3A_198, %ne3A_202 : vector<16xi1>
    %and3A_204 = arith.andi %ne3A_203, %ne3A_195 : vector<16xi1>
    %add3A_205 = vector.broadcast %select_n3A_190 : i32 to vector<16xi32>
    %add3A_206 = arith.addi %rem3A_192, %add3A_205 : vector<16xi32>
    %select_n3A_207 = arith.select %and3A_204, %add3A_206, %rem3A_192 : vector<16xi1>, vector<16xi32>
    %add3A_208 = arith.constant 48 : i32
    %add3A_209 = vector.broadcast %add3A_208 : i32 to vector<16xi32>
    %add3A_210 = arith.addi %add3A_209, %iota3A : vector<16xi32>
    %jit3A_211 = arith.constant 8 : i32
    %eq3A_212 = arith.constant 0 : i32
    %eq3A_213 = arith.cmpi eq, %jit3A_211, %eq3A_212 : i32
    %jit3A_214 = arith.constant 1 : i32
    %select_n3A_215 = arith.select %eq3A_213, %jit3A_214, %jit3A_211 : i32
    %rem3A_216 = vector.broadcast %select_n3A_215 : i32 to vector<16xi32>
    %rem3A_217 = arith.remsi %add3A_210, %rem3A_216 : vector<16xi32>
    %ne3A_218 = arith.constant 0 : i32
    %ne3A_219 = vector.broadcast %ne3A_218 : i32 to vector<16xi32>
    %ne3A_220 = arith.cmpi ne, %rem3A_217, %ne3A_219 : vector<16xi32>
    %lt3A_221 = arith.constant 0 : i32
    %lt3A_222 = vector.broadcast %lt3A_221 : i32 to vector<16xi32>
    %lt3A_223 = arith.cmpi slt, %rem3A_217, %lt3A_222 : vector<16xi32>
    %lt3A_224 = arith.constant 0 : i32
    %lt3A_225 = arith.cmpi slt, %select_n3A_215, %lt3A_224 : i32
    %ne3A_226 = vector.broadcast %lt3A_225 : i1 to vector<16xi1>
    %ne3A_227 = vector.broadcast %ne3A_226 : vector<16xi1> to vector<16xi1>
    %ne3A_228 = arith.xori %lt3A_223, %ne3A_227 : vector<16xi1>
    %and3A_229 = arith.andi %ne3A_228, %ne3A_220 : vector<16xi1>
    %add3A_230 = vector.broadcast %select_n3A_215 : i32 to vector<16xi32>
    %add3A_231 = arith.addi %rem3A_217, %add3A_230 : vector<16xi32>
    %select_n3A_232 = arith.select %and3A_229, %add3A_231, %rem3A_217 : vector<16xi1>, vector<16xi32>
    %dma_start3A = arith.constant 0 : i32
    %dma_start3A_233 = tpu.memref_slice %arg6[%dma_start3A] : memref<25600xi32, #tpu.memory_space<vmem>> -> memref<256xi32, #tpu.memory_space<vmem>>
    %dma_start3A_234 = arith.constant 0 : i32
    %dma_start3A_235 = arith.constant 0 : i32
    %dma_start3A_236 = tpu.memref_slice %arg3[%dma_start3A_234, %dma_start3A_235] : memref<100000x64xf32, #tpu.memory_space<hbm>> -> memref<100000x64xf32, #tpu.memory_space<hbm>>
    tpu.enqueue_indirect_dma source(%dma_start3A_236 : memref<100000x64xf32, #tpu.memory_space<hbm>>) target(%arg7 : memref<256x64xf32, #tpu.memory_space<vmem>>) offsets(%dma_start3A_233 : memref<256xi32, #tpu.memory_space<vmem>>) semaphore(%arg13 : memref<!tpu.dma_semaphore, #tpu.memory_space<semaphore_mem>>)
    %scan3A_237 = arith.constant 0 : i32
    %scan3A_238 = arith.constant 50 : i32
    %scan3A_239 = arith.addi %scan3A_237, %scan3A_238 : i32
    %scan3A_240 = arith.constant 1 : i32
    scf.for %scan3A_317 = %scan3A_237 to %scan3A_239 step %scan3A_240  : i32 {
      %mul3A_318 = arith.constant 4 : i32
      %mul3A_319 = arith.muli %mul3A_318, %scan3A_317 : i32
      %add3A_320 = arith.constant 2 : i32
      %add3A_321 = arith.addi %mul3A_319, %add3A_320 : i32
      %mul3A_322 = arith.constant 128 : i32
      %mul3A_323 = arith.muli %add3A_321, %mul3A_322 : i32
      %dma_start3A_324 = tpu.memref_slice %arg6[%mul3A_323] : memref<25600xi32, #tpu.memory_space<vmem>> -> memref<256xi32, #tpu.memory_space<vmem>>
      %dma_start3A_325 = arith.constant 0 : i32
      %dma_start3A_326 = arith.constant 0 : i32
      %dma_start3A_327 = tpu.memref_slice %arg3[%dma_start3A_325, %dma_start3A_326] : memref<100000x64xf32, #tpu.memory_space<hbm>> -> memref<100000x64xf32, #tpu.memory_space<hbm>>
      tpu.enqueue_indirect_dma source(%dma_start3A_327 : memref<100000x64xf32, #tpu.memory_space<hbm>>) target(%arg8 : memref<256x64xf32, #tpu.memory_space<vmem>>) offsets(%dma_start3A_324 : memref<256xi32, #tpu.memory_space<vmem>>) semaphore(%arg14 : memref<!tpu.dma_semaphore, #tpu.memory_space<semaphore_mem>>)
      %mul3A_328 = arith.constant 128 : i32
      %mul3A_329 = arith.muli %mul3A_319, %mul3A_328 : i32
      %dma_wait3A_330 = tpu.memref_slice %arg6[%mul3A_329] : memref<25600xi32, #tpu.memory_space<vmem>> -> memref<256xi32, #tpu.memory_space<vmem>>
      %dma_wait3A_331 = arith.constant 0 : i32
      %dma_wait3A_332 = arith.constant 0 : i32
      %dma_wait3A_333 = tpu.memref_slice %arg3[%dma_wait3A_331, %dma_wait3A_332] : memref<100000x64xf32, #tpu.memory_space<hbm>> -> memref<100000x64xf32, #tpu.memory_space<hbm>>
      tpu.wait_indirect_dma semaphore(%arg13 : memref<!tpu.dma_semaphore, #tpu.memory_space<semaphore_mem>>) src(%dma_wait3A_333 : memref<100000x64xf32, #tpu.memory_space<hbm>>) dst(%arg7 : memref<256x64xf32, #tpu.memory_space<vmem>>)
      %gt3A = arith.constant 0 : i32
      %gt3A_334 = arith.cmpi sgt, %scan3A_317, %gt3A : i32
      %convert_element_type3A = arith.extui %gt3A_334 : i1 to i32
      %cond3A = arith.constant 0 : i32
      %cond3A_335 = arith.cmpi ne, %convert_element_type3A, %cond3A : i32
      scf.if %cond3A_335 {
        %add3A_464 = arith.constant 0 : i32
        %add3A_465 = arith.addi %mul3A_319, %add3A_464 : i32
        %sub3A_466 = arith.constant 4 : i32
        %sub3A_467 = arith.subi %add3A_465, %sub3A_466 : i32
        %dma_wait3A_468 = arith.constant 0 : i32
        %dma_wait3A_469 = arith.constant 0 : i32
        %dma_wait3A_470 = arith.constant 0 : i32
        %dma_wait3A_471 = tpu.memref_slice %arg9[%dma_wait3A_468, %dma_wait3A_469, %dma_wait3A_470] : memref<8x8x133xf32, #tpu.memory_space<vmem>> -> memref<8x8x128xf32, #tpu.memory_space<vmem>>
        %dma_wait3A_472 = arith.constant 0 : i32
        %dma_wait3A_473 = arith.constant 0 : i32
        %dma_wait3A_474 = arith.constant 0 : i32
        %dma_wait3A_475 = tpu.memref_slice %arg4[%sub3A_467, %dma_wait3A_472, %add3A, %dma_wait3A_473, %dma_wait3A_474] : memref<200x8x32x8x128xf32, #tpu.memory_space<hbm>> -> memref<1x8x1x8x128xf32, #tpu.memory_space<hbm>>
        %dma_wait3A_476 = tpu.memref_squeeze %dma_wait3A_475 : memref<1x8x1x8x128xf32, #tpu.memory_space<hbm>> -> memref<8x8x128xf32, #tpu.memory_space<hbm>>
        %dma_wait3A_477 = arith.constant 0 : i32
        %dma_wait3A_478 = arith.constant 0 : i32
        %dma_wait3A_479 = arith.constant 0 : i32
        %dma_wait3A_480 = tpu.memref_slice %arg4[%sub3A_467, %dma_wait3A_477, %add3A, %dma_wait3A_478, %dma_wait3A_479] : memref<200x8x32x8x128xf32, #tpu.memory_space<hbm>> -> memref<1x8x1x8x128xf32, #tpu.memory_space<hbm>>
        %dma_wait3A_481 = tpu.memref_squeeze %dma_wait3A_480 : memref<1x8x1x8x128xf32, #tpu.memory_space<hbm>> -> memref<8x8x128xf32, #tpu.memory_space<hbm>>
        %dma_wait3A_482 = arith.constant 0 : i32
        %dma_wait3A_483 = arith.constant 0 : i32
        %dma_wait3A_484 = arith.constant 0 : i32
        %dma_wait3A_485 = tpu.memref_slice %arg9[%dma_wait3A_482, %dma_wait3A_483, %dma_wait3A_484] : memref<8x8x133xf32, #tpu.memory_space<vmem>> -> memref<8x8x128xf32, #tpu.memory_space<vmem>>
        tpu.wait_dma2 semaphore(%arg15 : memref<!tpu.dma_semaphore, #tpu.memory_space<semaphore_mem>>) src(%dma_wait3A_485 : memref<8x8x128xf32, #tpu.memory_space<vmem>>) dst(%dma_wait3A_481 : memref<8x8x128xf32, #tpu.memory_space<hbm>>)
      } else {
      }
      %scan3A_336 = arith.constant 0 : i32
      %scan3A_337 = arith.constant 32 : i32
      %scan3A_338 = arith.addi %scan3A_336, %scan3A_337 : i32
      %scan3A_339 = arith.constant 1 : i32
      scf.for %scan3A_464 = %scan3A_336 to %scan3A_338 step %scan3A_339  : i32 {
        %mul3A_465 = arith.constant 4 : i32
        %mul3A_466 = arith.muli %mul3A_465, %scan3A_464 : i32
        %add3A_467 = arith.constant 0 : i32
        %add3A_468 = arith.addi %mul3A_466, %add3A_467 : i32
        %mul3A_469 = arith.constant 4 : i32
        %mul3A_470 = arith.muli %mul3A_469, %scan3A_464 : i32
        %add3A_471 = arith.constant 0 : i32
        %add3A_472 = arith.addi %mul3A_470, %add3A_471 : i32
        %mul3A_473 = arith.constant 4 : i32
        %mul3A_474 = arith.muli %mul3A_473, %scan3A_464 : i32
        %add3A_475 = arith.constant 0 : i32
        %add3A_476 = arith.addi %mul3A_474, %add3A_475 : i32
        %mul3A_477 = arith.constant 4 : i32
        %mul3A_478 = arith.muli %mul3A_477, %scan3A_464 : i32
        %add3A_479 = arith.constant 0 : i32
        %add3A_480 = arith.addi %mul3A_478, %add3A_479 : i32
        %mul3A_481 = arith.constant 4 : i32
        %mul3A_482 = arith.muli %mul3A_481, %scan3A_464 : i32
        %add3A_483 = arith.constant 1 : i32
        %add3A_484 = arith.addi %mul3A_482, %add3A_483 : i32
        %mul3A_485 = arith.constant 4 : i32
        %mul3A_486 = arith.muli %mul3A_485, %scan3A_464 : i32
        %add3A_487 = arith.constant 1 : i32
        %add3A_488 = arith.addi %mul3A_486, %add3A_487 : i32
        %mul3A_489 = arith.constant 4 : i32
        %mul3A_490 = arith.muli %mul3A_489, %scan3A_464 : i32
        %add3A_491 = arith.constant 1 : i32
        %add3A_492 = arith.addi %mul3A_490, %add3A_491 : i32
        %mul3A_493 = arith.constant 4 : i32
        %mul3A_494 = arith.muli %mul3A_493, %scan3A_464 : i32
        %add3A_495 = arith.constant 1 : i32
        %add3A_496 = arith.addi %mul3A_494, %add3A_495 : i32
        %mul3A_497 = arith.constant 4 : i32
        %mul3A_498 = arith.muli %mul3A_497, %scan3A_464 : i32
        %add3A_499 = arith.constant 2 : i32
        %add3A_500 = arith.addi %mul3A_498, %add3A_499 : i32
        %mul3A_501 = arith.constant 4 : i32
        %mul3A_502 = arith.muli %mul3A_501, %scan3A_464 : i32
        %add3A_503 = arith.constant 2 : i32
        %add3A_504 = arith.addi %mul3A_502, %add3A_503 : i32
        %mul3A_505 = arith.constant 4 : i32
        %mul3A_506 = arith.muli %mul3A_505, %scan3A_464 : i32
        %add3A_507 = arith.constant 2 : i32
        %add3A_508 = arith.addi %mul3A_506, %add3A_507 : i32
        %mul3A_509 = arith.constant 4 : i32
        %mul3A_510 = arith.muli %mul3A_509, %scan3A_464 : i32
        %add3A_511 = arith.constant 2 : i32
        %add3A_512 = arith.addi %mul3A_510, %add3A_511 : i32
        %mul3A_513 = arith.constant 4 : i32
        %mul3A_514 = arith.muli %mul3A_513, %scan3A_464 : i32
        %add3A_515 = arith.constant 3 : i32
        %add3A_516 = arith.addi %mul3A_514, %add3A_515 : i32
        %mul3A_517 = arith.constant 4 : i32
        %mul3A_518 = arith.muli %mul3A_517, %scan3A_464 : i32
        %add3A_519 = arith.constant 3 : i32
        %add3A_520 = arith.addi %mul3A_518, %add3A_519 : i32
        %mul3A_521 = arith.constant 4 : i32
        %mul3A_522 = arith.muli %mul3A_521, %scan3A_464 : i32
        %add3A_523 = arith.constant 3 : i32
        %add3A_524 = arith.addi %mul3A_522, %add3A_523 : i32
        %mul3A_525 = arith.constant 4 : i32
        %mul3A_526 = arith.muli %mul3A_525, %scan3A_464 : i32
        %add3A_527 = arith.constant 3 : i32
        %add3A_528 = arith.addi %mul3A_526, %add3A_527 : i32
        %add3A_529 = arith.constant 0 : i32
        %add3A_530 = arith.addi %add3A_529, %add3A_468 : i32
        %get3A = arith.index_cast %add3A_530 : i32 to index
        %get3A_531 = arith.constant 0 : index
        %get3A_532 = tpu.vector_load %arg7[%get3A, %get3A_531] {strides = array<i32>} : memref<256x64xf32, #tpu.memory_space<vmem>>, vector<16xf32>,
        %add3A_533 = arith.constant 0 : i32
        %add3A_534 = arith.addi %add3A_533, %add3A_472 : i32
        %get3A_535 = arith.index_cast %add3A_534 : i32 to index
        %get3A_536 = arith.constant 16 : index
        %get3A_537 = tpu.vector_load %arg7[%get3A_535, %get3A_536] {strides = array<i32>} : memref<256x64xf32, #tpu.memory_space<vmem>>, vector<16xf32>,
        %add3A_538 = arith.constant 0 : i32
        %add3A_539 = arith.addi %add3A_538, %add3A_476 : i32
        %get3A_540 = arith.index_cast %add3A_539 : i32 to index
        %get3A_541 = arith.constant 32 : index
        %get3A_542 = tpu.vector_load %arg7[%get3A_540, %get3A_541] {strides = array<i32>} : memref<256x64xf32, #tpu.memory_space<vmem>>, vector<16xf32>,
        %add3A_543 = arith.constant 0 : i32
        %add3A_544 = arith.addi %add3A_543, %add3A_480 : i32
        %get3A_545 = arith.index_cast %add3A_544 : i32 to index
        %get3A_546 = arith.constant 48 : index
        %get3A_547 = tpu.vector_load %arg7[%get3A_545, %get3A_546] {strides = array<i32>} : memref<256x64xf32, #tpu.memory_space<vmem>>, vector<16xf32>,
        %add3A_548 = arith.constant 0 : i32
        %add3A_549 = arith.addi %add3A_548, %add3A_484 : i32
        %get3A_550 = arith.index_cast %add3A_549 : i32 to index
        %get3A_551 = arith.constant 0 : index
        %get3A_552 = tpu.vector_load %arg7[%get3A_550, %get3A_551] {strides = array<i32>} : memref<256x64xf32, #tpu.memory_space<vmem>>, vector<16xf32>,
        %add3A_553 = arith.constant 0 : i32
        %add3A_554 = arith.addi %add3A_553, %add3A_488 : i32
        %get3A_555 = arith.index_cast %add3A_554 : i32 to index
        %get3A_556 = arith.constant 16 : index
        %get3A_557 = tpu.vector_load %arg7[%get3A_555, %get3A_556] {strides = array<i32>} : memref<256x64xf32, #tpu.memory_space<vmem>>, vector<16xf32>,
        %add3A_558 = arith.constant 0 : i32
        %add3A_559 = arith.addi %add3A_558, %add3A_492 : i32
        %get3A_560 = arith.index_cast %add3A_559 : i32 to index
        %get3A_561 = arith.constant 32 : index
        %get3A_562 = tpu.vector_load %arg7[%get3A_560, %get3A_561] {strides = array<i32>} : memref<256x64xf32, #tpu.memory_space<vmem>>, vector<16xf32>,
        %add3A_563 = arith.constant 0 : i32
        %add3A_564 = arith.addi %add3A_563, %add3A_496 : i32
        %get3A_565 = arith.index_cast %add3A_564 : i32 to index
        %get3A_566 = arith.constant 48 : index
        %get3A_567 = tpu.vector_load %arg7[%get3A_565, %get3A_566] {strides = array<i32>} : memref<256x64xf32, #tpu.memory_space<vmem>>, vector<16xf32>,
        %add3A_568 = arith.constant 0 : i32
        %add3A_569 = arith.addi %add3A_568, %add3A_500 : i32
        %get3A_570 = arith.index_cast %add3A_569 : i32 to index
        %get3A_571 = arith.constant 0 : index
        %get3A_572 = tpu.vector_load %arg7[%get3A_570, %get3A_571] {strides = array<i32>} : memref<256x64xf32, #tpu.memory_space<vmem>>, vector<16xf32>,
        %add3A_573 = arith.constant 0 : i32
        %add3A_574 = arith.addi %add3A_573, %add3A_504 : i32
        %get3A_575 = arith.index_cast %add3A_574 : i32 to index
        %get3A_576 = arith.constant 16 : index
        %get3A_577 = tpu.vector_load %arg7[%get3A_575, %get3A_576] {strides = array<i32>} : memref<256x64xf32, #tpu.memory_space<vmem>>, vector<16xf32>,
        %add3A_578 = arith.constant 0 : i32
        %add3A_579 = arith.addi %add3A_578, %add3A_508 : i32
        %get3A_580 = arith.index_cast %add3A_579 : i32 to index
        %get3A_581 = arith.constant 32 : index
        %get3A_582 = tpu.vector_load %arg7[%get3A_580, %get3A_581] {strides = array<i32>} : memref<256x64xf32, #tpu.memory_space<vmem>>, vector<16xf32>,
        %add3A_583 = arith.constant 0 : i32
        %add3A_584 = arith.addi %add3A_583, %add3A_512 : i32
        %get3A_585 = arith.index_cast %add3A_584 : i32 to index
        %get3A_586 = arith.constant 48 : index
        %get3A_587 = tpu.vector_load %arg7[%get3A_585, %get3A_586] {strides = array<i32>} : memref<256x64xf32, #tpu.memory_space<vmem>>, vector<16xf32>,
        %add3A_588 = arith.constant 0 : i32
        %add3A_589 = arith.addi %add3A_588, %add3A_516 : i32
        %get3A_590 = arith.index_cast %add3A_589 : i32 to index
        %get3A_591 = arith.constant 0 : index
        %get3A_592 = tpu.vector_load %arg7[%get3A_590, %get3A_591] {strides = array<i32>} : memref<256x64xf32, #tpu.memory_space<vmem>>, vector<16xf32>,
        %add3A_593 = arith.constant 0 : i32
        %add3A_594 = arith.addi %add3A_593, %add3A_520 : i32
        %get3A_595 = arith.index_cast %add3A_594 : i32 to index
        %get3A_596 = arith.constant 16 : index
        %get3A_597 = tpu.vector_load %arg7[%get3A_595, %get3A_596] {strides = array<i32>} : memref<256x64xf32, #tpu.memory_space<vmem>>, vector<16xf32>,
        %add3A_598 = arith.constant 0 : i32
        %add3A_599 = arith.addi %add3A_598, %add3A_524 : i32
        %get3A_600 = arith.index_cast %add3A_599 : i32 to index
        %get3A_601 = arith.constant 32 : index
        %get3A_602 = tpu.vector_load %arg7[%get3A_600, %get3A_601] {strides = array<i32>} : memref<256x64xf32, #tpu.memory_space<vmem>>, vector<16xf32>,
        %add3A_603 = arith.constant 0 : i32
        %add3A_604 = arith.addi %add3A_603, %add3A_528 : i32
        %get3A_605 = arith.index_cast %add3A_604 : i32 to index
        %get3A_606 = arith.constant 48 : index
        %get3A_607 = tpu.vector_load %arg7[%get3A_605, %get3A_606] {strides = array<i32>} : memref<256x64xf32, #tpu.memory_space<vmem>>, vector<16xf32>,
        %broadcast_in_dim3A = vector.broadcast %add3A_468 : i32 to vector<16xi32>
        tpu.vector_store_idx %arg9[%select_n3A, %select_n3A_157, %broadcast_in_dim3A], %get3A_532 : memref<8x8x133xf32, #tpu.memory_space<vmem>>[vector<16xi32>, vector<16xi32>, vector<16xi32>], vector<16xf32>,
        %broadcast_in_dim3A_608 = vector.broadcast %add3A_472 : i32 to vector<16xi32>
        tpu.vector_store_idx %arg9[%select_n3A_66, %select_n3A_182, %broadcast_in_dim3A_608], %get3A_537 : memref<8x8x133xf32, #tpu.memory_space<vmem>>[vector<16xi32>, vector<16xi32>, vector<16xi32>], vector<16xf32>,
        %broadcast_in_dim3A_609 = vector.broadcast %add3A_476 : i32 to vector<16xi32>
        tpu.vector_store_idx %arg9[%select_n3A_100, %select_n3A_207, %broadcast_in_dim3A_609], %get3A_542 : memref<8x8x133xf32, #tpu.memory_space<vmem>>[vector<16xi32>, vector<16xi32>, vector<16xi32>], vector<16xf32>,
        %broadcast_in_dim3A_610 = vector.broadcast %add3A_480 : i32 to vector<16xi32>
        tpu.vector_store_idx %arg9[%select_n3A_134, %select_n3A_232, %broadcast_in_dim3A_610], %get3A_547 : memref<8x8x133xf32, #tpu.memory_space<vmem>>[vector<16xi32>, vector<16xi32>, vector<16xi32>], vector<16xf32>,
        %broadcast_in_dim3A_611 = vector.broadcast %add3A_484 : i32 to vector<16xi32>
        tpu.vector_store_idx %arg9[%select_n3A, %select_n3A_157, %broadcast_in_dim3A_611], %get3A_552 : memref<8x8x133xf32, #tpu.memory_space<vmem>>[vector<16xi32>, vector<16xi32>, vector<16xi32>], vector<16xf32>,
        %broadcast_in_dim3A_612 = vector.broadcast %add3A_488 : i32 to vector<16xi32>
        tpu.vector_store_idx %arg9[%select_n3A_66, %select_n3A_182, %broadcast_in_dim3A_612], %get3A_557 : memref<8x8x133xf32, #tpu.memory_space<vmem>>[vector<16xi32>, vector<16xi32>, vector<16xi32>], vector<16xf32>,
        %broadcast_in_dim3A_613 = vector.broadcast %add3A_492 : i32 to vector<16xi32>
        tpu.vector_store_idx %arg9[%select_n3A_100, %select_n3A_207, %broadcast_in_dim3A_613], %get3A_562 : memref<8x8x133xf32, #tpu.memory_space<vmem>>[vector<16xi32>, vector<16xi32>, vector<16xi32>], vector<16xf32>,
        %broadcast_in_dim3A_614 = vector.broadcast %add3A_496 : i32 to vector<16xi32>
        tpu.vector_store_idx %arg9[%select_n3A_134, %select_n3A_232, %broadcast_in_dim3A_614], %get3A_567 : memref<8x8x133xf32, #tpu.memory_space<vmem>>[vector<16xi32>, vector<16xi32>, vector<16xi32>], vector<16xf32>,
        %broadcast_in_dim3A_615 = vector.broadcast %add3A_500 : i32 to vector<16xi32>
        tpu.vector_store_idx %arg9[%select_n3A, %select_n3A_157, %broadcast_in_dim3A_615], %get3A_572 : memref<8x8x133xf32, #tpu.memory_space<vmem>>[vector<16xi32>, vector<16xi32>, vector<16xi32>], vector<16xf32>,
        %broadcast_in_dim3A_616 = vector.broadcast %add3A_504 : i32 to vector<16xi32>
        tpu.vector_store_idx %arg9[%select_n3A_66, %select_n3A_182, %broadcast_in_dim3A_616], %get3A_577 : memref<8x8x133xf32, #tpu.memory_space<vmem>>[vector<16xi32>, vector<16xi32>, vector<16xi32>], vector<16xf32>,
        %broadcast_in_dim3A_617 = vector.broadcast %add3A_508 : i32 to vector<16xi32>
        tpu.vector_store_idx %arg9[%select_n3A_100, %select_n3A_207, %broadcast_in_dim3A_617], %get3A_582 : memref<8x8x133xf32, #tpu.memory_space<vmem>>[vector<16xi32>, vector<16xi32>, vector<16xi32>], vector<16xf32>,
        %broadcast_in_dim3A_618 = vector.broadcast %add3A_512 : i32 to vector<16xi32>
        tpu.vector_store_idx %arg9[%select_n3A_134, %select_n3A_232, %broadcast_in_dim3A_618], %get3A_587 : memref<8x8x133xf32, #tpu.memory_space<vmem>>[vector<16xi32>, vector<16xi32>, vector<16xi32>], vector<16xf32>,
        %broadcast_in_dim3A_619 = vector.broadcast %add3A_516 : i32 to vector<16xi32>
        tpu.vector_store_idx %arg9[%select_n3A, %select_n3A_157, %broadcast_in_dim3A_619], %get3A_592 : memref<8x8x133xf32, #tpu.memory_space<vmem>>[vector<16xi32>, vector<16xi32>, vector<16xi32>], vector<16xf32>,
        %broadcast_in_dim3A_620 = vector.broadcast %add3A_520 : i32 to vector<16xi32>
        tpu.vector_store_idx %arg9[%select_n3A_66, %select_n3A_182, %broadcast_in_dim3A_620], %get3A_597 : memref<8x8x133xf32, #tpu.memory_space<vmem>>[vector<16xi32>, vector<16xi32>, vector<16xi32>], vector<16xf32>,
        %broadcast_in_dim3A_621 = vector.broadcast %add3A_524 : i32 to vector<16xi32>
        tpu.vector_store_idx %arg9[%select_n3A_100, %select_n3A_207, %broadcast_in_dim3A_621], %get3A_602 : memref<8x8x133xf32, #tpu.memory_space<vmem>>[vector<16xi32>, vector<16xi32>, vector<16xi32>], vector<16xf32>,
        %broadcast_in_dim3A_622 = vector.broadcast %add3A_528 : i32 to vector<16xi32>
        tpu.vector_store_idx %arg9[%select_n3A_134, %select_n3A_232, %broadcast_in_dim3A_622], %get3A_607 : memref<8x8x133xf32, #tpu.memory_space<vmem>>[vector<16xi32>, vector<16xi32>, vector<16xi32>], vector<16xf32>,
      }
      %scan3A_340 = arith.constant 32 : i32
      %add3A_341 = arith.constant 0 : i32
      %add3A_342 = arith.addi %mul3A_319, %add3A_341 : i32
      %dma_start3A_343 = arith.constant 0 : i32
      %dma_start3A_344 = arith.constant 0 : i32
      %dma_start3A_345 = arith.constant 0 : i32
      %dma_start3A_346 = tpu.memref_slice %arg9[%dma_start3A_343, %dma_start3A_344, %dma_start3A_345] : memref<8x8x133xf32, #tpu.memory_space<vmem>> -> memref<8x8x128xf32, #tpu.memory_space<vmem>>
      %dma_start3A_347 = arith.constant 0 : i32
      %dma_start3A_348 = arith.constant 0 : i32
      %dma_start3A_349 = arith.constant 0 : i32
      %dma_start3A_350 = tpu.memref_slice %arg4[%add3A_342, %dma_start3A_347, %add3A, %dma_start3A_348, %dma_start3A_349] : memref<200x8x32x8x128xf32, #tpu.memory_space<hbm>> -> memref<1x8x1x8x128xf32, #tpu.memory_space<hbm>>
      %dma_start3A_351 = tpu.memref_squeeze %dma_start3A_350 : memref<1x8x1x8x128xf32, #tpu.memory_space<hbm>> -> memref<8x8x128xf32, #tpu.memory_space<hbm>>
      %dma_start3A_352 = arith.constant 0 : i32
      %dma_start3A_353 = arith.constant 0 : i32
      %dma_start3A_354 = arith.constant 0 : i32
      %dma_start3A_355 = tpu.memref_slice %arg4[%add3A_342, %dma_start3A_352, %add3A, %dma_start3A_353, %dma_start3A_354] : memref<200x8x32x8x128xf32, #tpu.memory_space<hbm>> -> memref<1x8x1x8x128xf32, #tpu.memory_space<hbm>>
      %dma_start3A_356 = tpu.memref_squeeze %dma_start3A_355 : memref<1x8x1x8x128xf32, #tpu.memory_space<hbm>> -> memref<8x8x128xf32, #tpu.memory_space<hbm>>
      %dma_start3A_357 = arith.constant 0 : i32
      %dma_start3A_358 = arith.constant 0 : i32
      %dma_start3A_359 = arith.constant 0 : i32
      %dma_start3A_360 = tpu.memref_slice %arg9[%dma_start3A_357, %dma_start3A_358, %dma_start3A_359] : memref<8x8x133xf32, #tpu.memory_space<vmem>> -> memref<8x8x128xf32, #tpu.memory_space<vmem>>
      tpu.enqueue_dma source(%dma_start3A_360 : memref<8x8x128xf32, #tpu.memory_space<vmem>>) target(%dma_start3A_356 : memref<8x8x128xf32, #tpu.memory_space<hbm>>) target_semaphore(%arg15 : memref<!tpu.dma_semaphore, #tpu.memory_space<semaphore_mem>>)
      %gt3A_361 = arith.constant 0 : i32
      %gt3A_362 = arith.cmpi sgt, %scan3A_317, %gt3A_361 : i32
      %convert_element_type3A_363 = arith.extui %gt3A_362 : i1 to i32
      %cond3A_364 = arith.constant 0 : i32
      %cond3A_365 = arith.cmpi ne, %convert_element_type3A_363, %cond3A_364 : i32
      scf.if %cond3A_365 {
        %add3A_464 = arith.constant 1 : i32
        %add3A_465 = arith.addi %mul3A_319, %add3A_464 : i32
        %sub3A_466 = arith.constant 4 : i32
        %sub3A_467 = arith.subi %add3A_465, %sub3A_466 : i32
        %dma_wait3A_468 = arith.constant 0 : i32
        %dma_wait3A_469 = arith.constant 0 : i32
        %dma_wait3A_470 = arith.constant 0 : i32
        %dma_wait3A_471 = tpu.memref_slice %arg10[%dma_wait3A_468, %dma_wait3A_469, %dma_wait3A_470] : memref<8x8x133xf32, #tpu.memory_space<vmem>> -> memref<8x8x128xf32, #tpu.memory_space<vmem>>
        %dma_wait3A_472 = arith.constant 0 : i32
        %dma_wait3A_473 = arith.constant 0 : i32
        %dma_wait3A_474 = arith.constant 0 : i32
        %dma_wait3A_475 = tpu.memref_slice %arg4[%sub3A_467, %dma_wait3A_472, %add3A, %dma_wait3A_473, %dma_wait3A_474] : memref<200x8x32x8x128xf32, #tpu.memory_space<hbm>> -> memref<1x8x1x8x128xf32, #tpu.memory_space<hbm>>
        %dma_wait3A_476 = tpu.memref_squeeze %dma_wait3A_475 : memref<1x8x1x8x128xf32, #tpu.memory_space<hbm>> -> memref<8x8x128xf32, #tpu.memory_space<hbm>>
        %dma_wait3A_477 = arith.constant 0 : i32
        %dma_wait3A_478 = arith.constant 0 : i32
        %dma_wait3A_479 = arith.constant 0 : i32
        %dma_wait3A_480 = tpu.memref_slice %arg4[%sub3A_467, %dma_wait3A_477, %add3A, %dma_wait3A_478, %dma_wait3A_479] : memref<200x8x32x8x128xf32, #tpu.memory_space<hbm>> -> memref<1x8x1x8x128xf32, #tpu.memory_space<hbm>>
        %dma_wait3A_481 = tpu.memref_squeeze %dma_wait3A_480 : memref<1x8x1x8x128xf32, #tpu.memory_space<hbm>> -> memref<8x8x128xf32, #tpu.memory_space<hbm>>
        %dma_wait3A_482 = arith.constant 0 : i32
        %dma_wait3A_483 = arith.constant 0 : i32
        %dma_wait3A_484 = arith.constant 0 : i32
        %dma_wait3A_485 = tpu.memref_slice %arg10[%dma_wait3A_482, %dma_wait3A_483, %dma_wait3A_484] : memref<8x8x133xf32, #tpu.memory_space<vmem>> -> memref<8x8x128xf32, #tpu.memory_space<vmem>>
        tpu.wait_dma2 semaphore(%arg16 : memref<!tpu.dma_semaphore, #tpu.memory_space<semaphore_mem>>) src(%dma_wait3A_485 : memref<8x8x128xf32, #tpu.memory_space<vmem>>) dst(%dma_wait3A_481 : memref<8x8x128xf32, #tpu.memory_space<hbm>>)
      } else {
      }
      %scan3A_366 = arith.constant 0 : i32
      %scan3A_367 = arith.constant 32 : i32
      %scan3A_368 = arith.addi %scan3A_366, %scan3A_367 : i32
      %scan3A_369 = arith.constant 1 : i32
      scf.for %scan3A_464 = %scan3A_366 to %scan3A_368 step %scan3A_369  : i32 {
        %mul3A_465 = arith.constant 4 : i32
        %mul3A_466 = arith.muli %mul3A_465, %scan3A_464 : i32
        %add3A_467 = arith.constant 0 : i32
        %add3A_468 = arith.addi %mul3A_466, %add3A_467 : i32
        %mul3A_469 = arith.constant 4 : i32
        %mul3A_470 = arith.muli %mul3A_469, %scan3A_464 : i32
        %add3A_471 = arith.constant 0 : i32
        %add3A_472 = arith.addi %mul3A_470, %add3A_471 : i32
        %mul3A_473 = arith.constant 4 : i32
        %mul3A_474 = arith.muli %mul3A_473, %scan3A_464 : i32
        %add3A_475 = arith.constant 0 : i32
        %add3A_476 = arith.addi %mul3A_474, %add3A_475 : i32
        %mul3A_477 = arith.constant 4 : i32
        %mul3A_478 = arith.muli %mul3A_477, %scan3A_464 : i32
        %add3A_479 = arith.constant 0 : i32
        %add3A_480 = arith.addi %mul3A_478, %add3A_479 : i32
        %mul3A_481 = arith.constant 4 : i32
        %mul3A_482 = arith.muli %mul3A_481, %scan3A_464 : i32
        %add3A_483 = arith.constant 1 : i32
        %add3A_484 = arith.addi %mul3A_482, %add3A_483 : i32
        %mul3A_485 = arith.constant 4 : i32
        %mul3A_486 = arith.muli %mul3A_485, %scan3A_464 : i32
        %add3A_487 = arith.constant 1 : i32
        %add3A_488 = arith.addi %mul3A_486, %add3A_487 : i32
        %mul3A_489 = arith.constant 4 : i32
        %mul3A_490 = arith.muli %mul3A_489, %scan3A_464 : i32
        %add3A_491 = arith.constant 1 : i32
        %add3A_492 = arith.addi %mul3A_490, %add3A_491 : i32
        %mul3A_493 = arith.constant 4 : i32
        %mul3A_494 = arith.muli %mul3A_493, %scan3A_464 : i32
        %add3A_495 = arith.constant 1 : i32
        %add3A_496 = arith.addi %mul3A_494, %add3A_495 : i32
        %mul3A_497 = arith.constant 4 : i32
        %mul3A_498 = arith.muli %mul3A_497, %scan3A_464 : i32
        %add3A_499 = arith.constant 2 : i32
        %add3A_500 = arith.addi %mul3A_498, %add3A_499 : i32
        %mul3A_501 = arith.constant 4 : i32
        %mul3A_502 = arith.muli %mul3A_501, %scan3A_464 : i32
        %add3A_503 = arith.constant 2 : i32
        %add3A_504 = arith.addi %mul3A_502, %add3A_503 : i32
        %mul3A_505 = arith.constant 4 : i32
        %mul3A_506 = arith.muli %mul3A_505, %scan3A_464 : i32
        %add3A_507 = arith.constant 2 : i32
        %add3A_508 = arith.addi %mul3A_506, %add3A_507 : i32
        %mul3A_509 = arith.constant 4 : i32
        %mul3A_510 = arith.muli %mul3A_509, %scan3A_464 : i32
        %add3A_511 = arith.constant 2 : i32
        %add3A_512 = arith.addi %mul3A_510, %add3A_511 : i32
        %mul3A_513 = arith.constant 4 : i32
        %mul3A_514 = arith.muli %mul3A_513, %scan3A_464 : i32
        %add3A_515 = arith.constant 3 : i32
        %add3A_516 = arith.addi %mul3A_514, %add3A_515 : i32
        %mul3A_517 = arith.constant 4 : i32
        %mul3A_518 = arith.muli %mul3A_517, %scan3A_464 : i32
        %add3A_519 = arith.constant 3 : i32
        %add3A_520 = arith.addi %mul3A_518, %add3A_519 : i32
        %mul3A_521 = arith.constant 4 : i32
        %mul3A_522 = arith.muli %mul3A_521, %scan3A_464 : i32
        %add3A_523 = arith.constant 3 : i32
        %add3A_524 = arith.addi %mul3A_522, %add3A_523 : i32
        %mul3A_525 = arith.constant 4 : i32
        %mul3A_526 = arith.muli %mul3A_525, %scan3A_464 : i32
        %add3A_527 = arith.constant 3 : i32
        %add3A_528 = arith.addi %mul3A_526, %add3A_527 : i32
        %add3A_529 = arith.constant 128 : i32
        %add3A_530 = arith.addi %add3A_529, %add3A_468 : i32
        %get3A = arith.index_cast %add3A_530 : i32 to index
        %get3A_531 = arith.constant 0 : index
        %get3A_532 = tpu.vector_load %arg7[%get3A, %get3A_531] {strides = array<i32>} : memref<256x64xf32, #tpu.memory_space<vmem>>, vector<16xf32>,
        %add3A_533 = arith.constant 128 : i32
        %add3A_534 = arith.addi %add3A_533, %add3A_472 : i32
        %get3A_535 = arith.index_cast %add3A_534 : i32 to index
        %get3A_536 = arith.constant 16 : index
        %get3A_537 = tpu.vector_load %arg7[%get3A_535, %get3A_536] {strides = array<i32>} : memref<256x64xf32, #tpu.memory_space<vmem>>, vector<16xf32>,
        %add3A_538 = arith.constant 128 : i32
        %add3A_539 = arith.addi %add3A_538, %add3A_476 : i32
        %get3A_540 = arith.index_cast %add3A_539 : i32 to index
        %get3A_541 = arith.constant 32 : index
        %get3A_542 = tpu.vector_load %arg7[%get3A_540, %get3A_541] {strides = array<i32>} : memref<256x64xf32, #tpu.memory_space<vmem>>, vector<16xf32>,
        %add3A_543 = arith.constant 128 : i32
        %add3A_544 = arith.addi %add3A_543, %add3A_480 : i32
        %get3A_545 = arith.index_cast %add3A_544 : i32 to index
        %get3A_546 = arith.constant 48 : index
        %get3A_547 = tpu.vector_load %arg7[%get3A_545, %get3A_546] {strides = array<i32>} : memref<256x64xf32, #tpu.memory_space<vmem>>, vector<16xf32>,
        %add3A_548 = arith.constant 128 : i32
        %add3A_549 = arith.addi %add3A_548, %add3A_484 : i32
        %get3A_550 = arith.index_cast %add3A_549 : i32 to index
        %get3A_551 = arith.constant 0 : index
        %get3A_552 = tpu.vector_load %arg7[%get3A_550, %get3A_551] {strides = array<i32>} : memref<256x64xf32, #tpu.memory_space<vmem>>, vector<16xf32>,
        %add3A_553 = arith.constant 128 : i32
        %add3A_554 = arith.addi %add3A_553, %add3A_488 : i32
        %get3A_555 = arith.index_cast %add3A_554 : i32 to index
        %get3A_556 = arith.constant 16 : index
        %get3A_557 = tpu.vector_load %arg7[%get3A_555, %get3A_556] {strides = array<i32>} : memref<256x64xf32, #tpu.memory_space<vmem>>, vector<16xf32>,
        %add3A_558 = arith.constant 128 : i32
        %add3A_559 = arith.addi %add3A_558, %add3A_492 : i32
        %get3A_560 = arith.index_cast %add3A_559 : i32 to index
        %get3A_561 = arith.constant 32 : index
        %get3A_562 = tpu.vector_load %arg7[%get3A_560, %get3A_561] {strides = array<i32>} : memref<256x64xf32, #tpu.memory_space<vmem>>, vector<16xf32>,
        %add3A_563 = arith.constant 128 : i32
        %add3A_564 = arith.addi %add3A_563, %add3A_496 : i32
        %get3A_565 = arith.index_cast %add3A_564 : i32 to index
        %get3A_566 = arith.constant 48 : index
        %get3A_567 = tpu.vector_load %arg7[%get3A_565, %get3A_566] {strides = array<i32>} : memref<256x64xf32, #tpu.memory_space<vmem>>, vector<16xf32>,
        %add3A_568 = arith.constant 128 : i32
        %add3A_569 = arith.addi %add3A_568, %add3A_500 : i32
        %get3A_570 = arith.index_cast %add3A_569 : i32 to index
        %get3A_571 = arith.constant 0 : index
        %get3A_572 = tpu.vector_load %arg7[%get3A_570, %get3A_571] {strides = array<i32>} : memref<256x64xf32, #tpu.memory_space<vmem>>, vector<16xf32>,
        %add3A_573 = arith.constant 128 : i32
        %add3A_574 = arith.addi %add3A_573, %add3A_504 : i32
        %get3A_575 = arith.index_cast %add3A_574 : i32 to index
        %get3A_576 = arith.constant 16 : index
        %get3A_577 = tpu.vector_load %arg7[%get3A_575, %get3A_576] {strides = array<i32>} : memref<256x64xf32, #tpu.memory_space<vmem>>, vector<16xf32>,
        %add3A_578 = arith.constant 128 : i32
        %add3A_579 = arith.addi %add3A_578, %add3A_508 : i32
        %get3A_580 = arith.index_cast %add3A_579 : i32 to index
        %get3A_581 = arith.constant 32 : index
        %get3A_582 = tpu.vector_load %arg7[%get3A_580, %get3A_581] {strides = array<i32>} : memref<256x64xf32, #tpu.memory_space<vmem>>, vector<16xf32>,
        %add3A_583 = arith.constant 128 : i32
        %add3A_584 = arith.addi %add3A_583, %add3A_512 : i32
        %get3A_585 = arith.index_cast %add3A_584 : i32 to index
        %get3A_586 = arith.constant 48 : index
        %get3A_587 = tpu.vector_load %arg7[%get3A_585, %get3A_586] {strides = array<i32>} : memref<256x64xf32, #tpu.memory_space<vmem>>, vector<16xf32>,
        %add3A_588 = arith.constant 128 : i32
        %add3A_589 = arith.addi %add3A_588, %add3A_516 : i32
        %get3A_590 = arith.index_cast %add3A_589 : i32 to index
        %get3A_591 = arith.constant 0 : index
        %get3A_592 = tpu.vector_load %arg7[%get3A_590, %get3A_591] {strides = array<i32>} : memref<256x64xf32, #tpu.memory_space<vmem>>, vector<16xf32>,
        %add3A_593 = arith.constant 128 : i32
        %add3A_594 = arith.addi %add3A_593, %add3A_520 : i32
        %get3A_595 = arith.index_cast %add3A_594 : i32 to index
        %get3A_596 = arith.constant 16 : index
        %get3A_597 = tpu.vector_load %arg7[%get3A_595, %get3A_596] {strides = array<i32>} : memref<256x64xf32, #tpu.memory_space<vmem>>, vector<16xf32>,
        %add3A_598 = arith.constant 128 : i32
        %add3A_599 = arith.addi %add3A_598, %add3A_524 : i32
        %get3A_600 = arith.index_cast %add3A_599 : i32 to index
        %get3A_601 = arith.constant 32 : index
        %get3A_602 = tpu.vector_load %arg7[%get3A_600, %get3A_601] {strides = array<i32>} : memref<256x64xf32, #tpu.memory_space<vmem>>, vector<16xf32>,
        %add3A_603 = arith.constant 128 : i32
        %add3A_604 = arith.addi %add3A_603, %add3A_528 : i32
        %get3A_605 = arith.index_cast %add3A_604 : i32 to index
        %get3A_606 = arith.constant 48 : index
        %get3A_607 = tpu.vector_load %arg7[%get3A_605, %get3A_606] {strides = array<i32>} : memref<256x64xf32, #tpu.memory_space<vmem>>, vector<16xf32>,
        %broadcast_in_dim3A = vector.broadcast %add3A_468 : i32 to vector<16xi32>
        tpu.vector_store_idx %arg10[%select_n3A, %select_n3A_157, %broadcast_in_dim3A], %get3A_532 : memref<8x8x133xf32, #tpu.memory_space<vmem>>[vector<16xi32>, vector<16xi32>, vector<16xi32>], vector<16xf32>,
        %broadcast_in_dim3A_608 = vector.broadcast %add3A_472 : i32 to vector<16xi32>
        tpu.vector_store_idx %arg10[%select_n3A_66, %select_n3A_182, %broadcast_in_dim3A_608], %get3A_537 : memref<8x8x133xf32, #tpu.memory_space<vmem>>[vector<16xi32>, vector<16xi32>, vector<16xi32>], vector<16xf32>,
        %broadcast_in_dim3A_609 = vector.broadcast %add3A_476 : i32 to vector<16xi32>
        tpu.vector_store_idx %arg10[%select_n3A_100, %select_n3A_207, %broadcast_in_dim3A_609], %get3A_542 : memref<8x8x133xf32, #tpu.memory_space<vmem>>[vector<16xi32>, vector<16xi32>, vector<16xi32>], vector<16xf32>,
        %broadcast_in_dim3A_610 = vector.broadcast %add3A_480 : i32 to vector<16xi32>
        tpu.vector_store_idx %arg10[%select_n3A_134, %select_n3A_232, %broadcast_in_dim3A_610], %get3A_547 : memref<8x8x133xf32, #tpu.memory_space<vmem>>[vector<16xi32>, vector<16xi32>, vector<16xi32>], vector<16xf32>,
        %broadcast_in_dim3A_611 = vector.broadcast %add3A_484 : i32 to vector<16xi32>
        tpu.vector_store_idx %arg10[%select_n3A, %select_n3A_157, %broadcast_in_dim3A_611], %get3A_552 : memref<8x8x133xf32, #tpu.memory_space<vmem>>[vector<16xi32>, vector<16xi32>, vector<16xi32>], vector<16xf32>,
        %broadcast_in_dim3A_612 = vector.broadcast %add3A_488 : i32 to vector<16xi32>
        tpu.vector_store_idx %arg10[%select_n3A_66, %select_n3A_182, %broadcast_in_dim3A_612], %get3A_557 : memref<8x8x133xf32, #tpu.memory_space<vmem>>[vector<16xi32>, vector<16xi32>, vector<16xi32>], vector<16xf32>,
        %broadcast_in_dim3A_613 = vector.broadcast %add3A_492 : i32 to vector<16xi32>
        tpu.vector_store_idx %arg10[%select_n3A_100, %select_n3A_207, %broadcast_in_dim3A_613], %get3A_562 : memref<8x8x133xf32, #tpu.memory_space<vmem>>[vector<16xi32>, vector<16xi32>, vector<16xi32>], vector<16xf32>,
        %broadcast_in_dim3A_614 = vector.broadcast %add3A_496 : i32 to vector<16xi32>
        tpu.vector_store_idx %arg10[%select_n3A_134, %select_n3A_232, %broadcast_in_dim3A_614], %get3A_567 : memref<8x8x133xf32, #tpu.memory_space<vmem>>[vector<16xi32>, vector<16xi32>, vector<16xi32>], vector<16xf32>,
        %broadcast_in_dim3A_615 = vector.broadcast %add3A_500 : i32 to vector<16xi32>
        tpu.vector_store_idx %arg10[%select_n3A, %select_n3A_157, %broadcast_in_dim3A_615], %get3A_572 : memref<8x8x133xf32, #tpu.memory_space<vmem>>[vector<16xi32>, vector<16xi32>, vector<16xi32>], vector<16xf32>,
        %broadcast_in_dim3A_616 = vector.broadcast %add3A_504 : i32 to vector<16xi32>
        tpu.vector_store_idx %arg10[%select_n3A_66, %select_n3A_182, %broadcast_in_dim3A_616], %get3A_577 : memref<8x8x133xf32, #tpu.memory_space<vmem>>[vector<16xi32>, vector<16xi32>, vector<16xi32>], vector<16xf32>,
        %broadcast_in_dim3A_617 = vector.broadcast %add3A_508 : i32 to vector<16xi32>
        tpu.vector_store_idx %arg10[%select_n3A_100, %select_n3A_207, %broadcast_in_dim3A_617], %get3A_582 : memref<8x8x133xf32, #tpu.memory_space<vmem>>[vector<16xi32>, vector<16xi32>, vector<16xi32>], vector<16xf32>,
        %broadcast_in_dim3A_618 = vector.broadcast %add3A_512 : i32 to vector<16xi32>
        tpu.vector_store_idx %arg10[%select_n3A_134, %select_n3A_232, %broadcast_in_dim3A_618], %get3A_587 : memref<8x8x133xf32, #tpu.memory_space<vmem>>[vector<16xi32>, vector<16xi32>, vector<16xi32>], vector<16xf32>,
        %broadcast_in_dim3A_619 = vector.broadcast %add3A_516 : i32 to vector<16xi32>
        tpu.vector_store_idx %arg10[%select_n3A, %select_n3A_157, %broadcast_in_dim3A_619], %get3A_592 : memref<8x8x133xf32, #tpu.memory_space<vmem>>[vector<16xi32>, vector<16xi32>, vector<16xi32>], vector<16xf32>,
        %broadcast_in_dim3A_620 = vector.broadcast %add3A_520 : i32 to vector<16xi32>
        tpu.vector_store_idx %arg10[%select_n3A_66, %select_n3A_182, %broadcast_in_dim3A_620], %get3A_597 : memref<8x8x133xf32, #tpu.memory_space<vmem>>[vector<16xi32>, vector<16xi32>, vector<16xi32>], vector<16xf32>,
        %broadcast_in_dim3A_621 = vector.broadcast %add3A_524 : i32 to vector<16xi32>
        tpu.vector_store_idx %arg10[%select_n3A_100, %select_n3A_207, %broadcast_in_dim3A_621], %get3A_602 : memref<8x8x133xf32, #tpu.memory_space<vmem>>[vector<16xi32>, vector<16xi32>, vector<16xi32>], vector<16xf32>,
        %broadcast_in_dim3A_622 = vector.broadcast %add3A_528 : i32 to vector<16xi32>
        tpu.vector_store_idx %arg10[%select_n3A_134, %select_n3A_232, %broadcast_in_dim3A_622], %get3A_607 : memref<8x8x133xf32, #tpu.memory_space<vmem>>[vector<16xi32>, vector<16xi32>, vector<16xi32>], vector<16xf32>,
      }
      %scan3A_370 = arith.constant 32 : i32
      %add3A_371 = arith.constant 1 : i32
      %add3A_372 = arith.addi %mul3A_319, %add3A_371 : i32
      %dma_start3A_373 = arith.constant 0 : i32
      %dma_start3A_374 = arith.constant 0 : i32
      %dma_start3A_375 = arith.constant 0 : i32
      %dma_start3A_376 = tpu.memref_slice %arg10[%dma_start3A_373, %dma_start3A_374, %dma_start3A_375] : memref<8x8x133xf32, #tpu.memory_space<vmem>> -> memref<8x8x128xf32, #tpu.memory_space<vmem>>
      %dma_start3A_377 = arith.constant 0 : i32
      %dma_start3A_378 = arith.constant 0 : i32
      %dma_start3A_379 = arith.constant 0 : i32
      %dma_start3A_380 = tpu.memref_slice %arg4[%add3A_372, %dma_start3A_377, %add3A, %dma_start3A_378, %dma_start3A_379] : memref<200x8x32x8x128xf32, #tpu.memory_space<hbm>> -> memref<1x8x1x8x128xf32, #tpu.memory_space<hbm>>
      %dma_start3A_381 = tpu.memref_squeeze %dma_start3A_380 : memref<1x8x1x8x128xf32, #tpu.memory_space<hbm>> -> memref<8x8x128xf32, #tpu.memory_space<hbm>>
      %dma_start3A_382 = arith.constant 0 : i32
      %dma_start3A_383 = arith.constant 0 : i32
      %dma_start3A_384 = arith.constant 0 : i32
      %dma_start3A_385 = tpu.memref_slice %arg4[%add3A_372, %dma_start3A_382, %add3A, %dma_start3A_383, %dma_start3A_384] : memref<200x8x32x8x128xf32, #tpu.memory_space<hbm>> -> memref<1x8x1x8x128xf32, #tpu.memory_space<hbm>>
      %dma_start3A_386 = tpu.memref_squeeze %dma_start3A_385 : memref<1x8x1x8x128xf32, #tpu.memory_space<hbm>> -> memref<8x8x128xf32, #tpu.memory_space<hbm>>
      %dma_start3A_387 = arith.constant 0 : i32
      %dma_start3A_388 = arith.constant 0 : i32
      %dma_start3A_389 = arith.constant 0 : i32
      %dma_start3A_390 = tpu.memref_slice %arg10[%dma_start3A_387, %dma_start3A_388, %dma_start3A_389] : memref<8x8x133xf32, #tpu.memory_space<vmem>> -> memref<8x8x128xf32, #tpu.memory_space<vmem>>
      tpu.enqueue_dma source(%dma_start3A_390 : memref<8x8x128xf32, #tpu.memory_space<vmem>>) target(%dma_start3A_386 : memref<8x8x128xf32, #tpu.memory_space<hbm>>) target_semaphore(%arg16 : memref<!tpu.dma_semaphore, #tpu.memory_space<semaphore_mem>>)
      %lt3A_391 = arith.constant 49 : i32
      %lt3A_392 = arith.cmpi slt, %scan3A_317, %lt3A_391 : i32
      %convert_element_type3A_393 = arith.extui %lt3A_392 : i1 to i32
      %cond3A_394 = arith.constant 0 : i32
      %cond3A_395 = arith.cmpi ne, %convert_element_type3A_393, %cond3A_394 : i32
      scf.if %cond3A_395 {
        %add3A_464 = arith.constant 4 : i32
        %add3A_465 = arith.addi %mul3A_319, %add3A_464 : i32
        %mul3A_466 = arith.constant 128 : i32
        %mul3A_467 = arith.muli %add3A_465, %mul3A_466 : i32
        %dma_start3A_468 = tpu.memref_slice %arg6[%mul3A_467] : memref<25600xi32, #tpu.memory_space<vmem>> -> memref<256xi32, #tpu.memory_space<vmem>>
        %dma_start3A_469 = arith.constant 0 : i32
        %dma_start3A_470 = arith.constant 0 : i32
        %dma_start3A_471 = tpu.memref_slice %arg3[%dma_start3A_469, %dma_start3A_470] : memref<100000x64xf32, #tpu.memory_space<hbm>> -> memref<100000x64xf32, #tpu.memory_space<hbm>>
        tpu.enqueue_indirect_dma source(%dma_start3A_471 : memref<100000x64xf32, #tpu.memory_space<hbm>>) target(%arg7 : memref<256x64xf32, #tpu.memory_space<vmem>>) offsets(%dma_start3A_468 : memref<256xi32, #tpu.memory_space<vmem>>) semaphore(%arg13 : memref<!tpu.dma_semaphore, #tpu.memory_space<semaphore_mem>>)
      } else {
      }
      %add3A_396 = arith.constant 2 : i32
      %add3A_397 = arith.addi %mul3A_319, %add3A_396 : i32
      %mul3A_398 = arith.constant 128 : i32
      %mul3A_399 = arith.muli %add3A_397, %mul3A_398 : i32
      %dma_wait3A_400 = tpu.memref_slice %arg6[%mul3A_399] : memref<25600xi32, #tpu.memory_space<vmem>> -> memref<256xi32, #tpu.memory_space<vmem>>
      %dma_wait3A_401 = arith.constant 0 : i32
      %dma_wait3A_402 = arith.constant 0 : i32
      %dma_wait3A_403 = tpu.memref_slice %arg3[%dma_wait3A_401, %dma_wait3A_402] : memref<100000x64xf32, #tpu.memory_space<hbm>> -> memref<100000x64xf32, #tpu.memory_space<hbm>>
      tpu.wait_indirect_dma semaphore(%arg14 : memref<!tpu.dma_semaphore, #tpu.memory_space<semaphore_mem>>) src(%dma_wait3A_403 : memref<100000x64xf32, #tpu.memory_space<hbm>>) dst(%arg8 : memref<256x64xf32, #tpu.memory_space<vmem>>)
      %gt3A_404 = arith.constant 0 : i32
      %gt3A_405 = arith.cmpi sgt, %scan3A_317, %gt3A_404 : i32
      %convert_element_type3A_406 = arith.extui %gt3A_405 : i1 to i32
      %cond3A_407 = arith.constant 0 : i32
      %cond3A_408 = arith.cmpi ne, %convert_element_type3A_406, %cond3A_407 : i32
      scf.if %cond3A_408 {
        %add3A_464 = arith.constant 2 : i32
        %add3A_465 = arith.addi %mul3A_319, %add3A_464 : i32
        %sub3A_466 = arith.constant 4 : i32
        %sub3A_467 = arith.subi %add3A_465, %sub3A_466 : i32
        %dma_wait3A_468 = arith.constant 0 : i32
        %dma_wait3A_469 = arith.constant 0 : i32
        %dma_wait3A_470 = arith.constant 0 : i32
        %dma_wait3A_471 = tpu.memref_slice %arg11[%dma_wait3A_468, %dma_wait3A_469, %dma_wait3A_470] : memref<8x8x133xf32, #tpu.memory_space<vmem>> -> memref<8x8x128xf32, #tpu.memory_space<vmem>>
        %dma_wait3A_472 = arith.constant 0 : i32
        %dma_wait3A_473 = arith.constant 0 : i32
        %dma_wait3A_474 = arith.constant 0 : i32
        %dma_wait3A_475 = tpu.memref_slice %arg4[%sub3A_467, %dma_wait3A_472, %add3A, %dma_wait3A_473, %dma_wait3A_474] : memref<200x8x32x8x128xf32, #tpu.memory_space<hbm>> -> memref<1x8x1x8x128xf32, #tpu.memory_space<hbm>>
        %dma_wait3A_476 = tpu.memref_squeeze %dma_wait3A_475 : memref<1x8x1x8x128xf32, #tpu.memory_space<hbm>> -> memref<8x8x128xf32, #tpu.memory_space<hbm>>
        %dma_wait3A_477 = arith.constant 0 : i32
        %dma_wait3A_478 = arith.constant 0 : i32
        %dma_wait3A_479 = arith.constant 0 : i32
        %dma_wait3A_480 = tpu.memref_slice %arg4[%sub3A_467, %dma_wait3A_477, %add3A, %dma_wait3A_478, %dma_wait3A_479] : memref<200x8x32x8x128xf32, #tpu.memory_space<hbm>> -> memref<1x8x1x8x128xf32, #tpu.memory_space<hbm>>
        %dma_wait3A_481 = tpu.memref_squeeze %dma_wait3A_480 : memref<1x8x1x8x128xf32, #tpu.memory_space<hbm>> -> memref<8x8x128xf32, #tpu.memory_space<hbm>>
        %dma_wait3A_482 = arith.constant 0 : i32
        %dma_wait3A_483 = arith.constant 0 : i32
        %dma_wait3A_484 = arith.constant 0 : i32
        %dma_wait3A_485 = tpu.memref_slice %arg11[%dma_wait3A_482, %dma_wait3A_483, %dma_wait3A_484] : memref<8x8x133xf32, #tpu.memory_space<vmem>> -> memref<8x8x128xf32, #tpu.memory_space<vmem>>
        tpu.wait_dma2 semaphore(%arg17 : memref<!tpu.dma_semaphore, #tpu.memory_space<semaphore_mem>>) src(%dma_wait3A_485 : memref<8x8x128xf32, #tpu.memory_space<vmem>>) dst(%dma_wait3A_481 : memref<8x8x128xf32, #tpu.memory_space<hbm>>)
      } else {
      }
      %scan3A_409 = arith.constant 0 : i32
      %scan3A_410 = arith.constant 32 : i32
      %scan3A_411 = arith.addi %scan3A_409, %scan3A_410 : i32
      %scan3A_412 = arith.constant 1 : i32
      scf.for %scan3A_464 = %scan3A_409 to %scan3A_411 step %scan3A_412  : i32 {
        %mul3A_465 = arith.constant 4 : i32
        %mul3A_466 = arith.muli %mul3A_465, %scan3A_464 : i32
        %add3A_467 = arith.constant 0 : i32
        %add3A_468 = arith.addi %mul3A_466, %add3A_467 : i32
        %mul3A_469 = arith.constant 4 : i32
        %mul3A_470 = arith.muli %mul3A_469, %scan3A_464 : i32
        %add3A_471 = arith.constant 0 : i32
        %add3A_472 = arith.addi %mul3A_470, %add3A_471 : i32
        %mul3A_473 = arith.constant 4 : i32
        %mul3A_474 = arith.muli %mul3A_473, %scan3A_464 : i32
        %add3A_475 = arith.constant 0 : i32
        %add3A_476 = arith.addi %mul3A_474, %add3A_475 : i32
        %mul3A_477 = arith.constant 4 : i32
        %mul3A_478 = arith.muli %mul3A_477, %scan3A_464 : i32
        %add3A_479 = arith.constant 0 : i32
        %add3A_480 = arith.addi %mul3A_478, %add3A_479 : i32
        %mul3A_481 = arith.constant 4 : i32
        %mul3A_482 = arith.muli %mul3A_481, %scan3A_464 : i32
        %add3A_483 = arith.constant 1 : i32
        %add3A_484 = arith.addi %mul3A_482, %add3A_483 : i32
        %mul3A_485 = arith.constant 4 : i32
        %mul3A_486 = arith.muli %mul3A_485, %scan3A_464 : i32
        %add3A_487 = arith.constant 1 : i32
        %add3A_488 = arith.addi %mul3A_486, %add3A_487 : i32
        %mul3A_489 = arith.constant 4 : i32
        %mul3A_490 = arith.muli %mul3A_489, %scan3A_464 : i32
        %add3A_491 = arith.constant 1 : i32
        %add3A_492 = arith.addi %mul3A_490, %add3A_491 : i32
        %mul3A_493 = arith.constant 4 : i32
        %mul3A_494 = arith.muli %mul3A_493, %scan3A_464 : i32
        %add3A_495 = arith.constant 1 : i32
        %add3A_496 = arith.addi %mul3A_494, %add3A_495 : i32
        %mul3A_497 = arith.constant 4 : i32
        %mul3A_498 = arith.muli %mul3A_497, %scan3A_464 : i32
        %add3A_499 = arith.constant 2 : i32
        %add3A_500 = arith.addi %mul3A_498, %add3A_499 : i32
        %mul3A_501 = arith.constant 4 : i32
        %mul3A_502 = arith.muli %mul3A_501, %scan3A_464 : i32
        %add3A_503 = arith.constant 2 : i32
        %add3A_504 = arith.addi %mul3A_502, %add3A_503 : i32
        %mul3A_505 = arith.constant 4 : i32
        %mul3A_506 = arith.muli %mul3A_505, %scan3A_464 : i32
        %add3A_507 = arith.constant 2 : i32
        %add3A_508 = arith.addi %mul3A_506, %add3A_507 : i32
        %mul3A_509 = arith.constant 4 : i32
        %mul3A_510 = arith.muli %mul3A_509, %scan3A_464 : i32
        %add3A_511 = arith.constant 2 : i32
        %add3A_512 = arith.addi %mul3A_510, %add3A_511 : i32
        %mul3A_513 = arith.constant 4 : i32
        %mul3A_514 = arith.muli %mul3A_513, %scan3A_464 : i32
        %add3A_515 = arith.constant 3 : i32
        %add3A_516 = arith.addi %mul3A_514, %add3A_515 : i32
        %mul3A_517 = arith.constant 4 : i32
        %mul3A_518 = arith.muli %mul3A_517, %scan3A_464 : i32
        %add3A_519 = arith.constant 3 : i32
        %add3A_520 = arith.addi %mul3A_518, %add3A_519 : i32
        %mul3A_521 = arith.constant 4 : i32
        %mul3A_522 = arith.muli %mul3A_521, %scan3A_464 : i32
        %add3A_523 = arith.constant 3 : i32
        %add3A_524 = arith.addi %mul3A_522, %add3A_523 : i32
        %mul3A_525 = arith.constant 4 : i32
        %mul3A_526 = arith.muli %mul3A_525, %scan3A_464 : i32
        %add3A_527 = arith.constant 3 : i32
        %add3A_528 = arith.addi %mul3A_526, %add3A_527 : i32
        %add3A_529 = arith.constant 0 : i32
        %add3A_530 = arith.addi %add3A_529, %add3A_468 : i32
        %get3A = arith.index_cast %add3A_530 : i32 to index
        %get3A_531 = arith.constant 0 : index
        %get3A_532 = tpu.vector_load %arg8[%get3A, %get3A_531] {strides = array<i32>} : memref<256x64xf32, #tpu.memory_space<vmem>>, vector<16xf32>,
        %add3A_533 = arith.constant 0 : i32
        %add3A_534 = arith.addi %add3A_533, %add3A_472 : i32
        %get3A_535 = arith.index_cast %add3A_534 : i32 to index
        %get3A_536 = arith.constant 16 : index
        %get3A_537 = tpu.vector_load %arg8[%get3A_535, %get3A_536] {strides = array<i32>} : memref<256x64xf32, #tpu.memory_space<vmem>>, vector<16xf32>,
        %add3A_538 = arith.constant 0 : i32
        %add3A_539 = arith.addi %add3A_538, %add3A_476 : i32
        %get3A_540 = arith.index_cast %add3A_539 : i32 to index
        %get3A_541 = arith.constant 32 : index
        %get3A_542 = tpu.vector_load %arg8[%get3A_540, %get3A_541] {strides = array<i32>} : memref<256x64xf32, #tpu.memory_space<vmem>>, vector<16xf32>,
        %add3A_543 = arith.constant 0 : i32
        %add3A_544 = arith.addi %add3A_543, %add3A_480 : i32
        %get3A_545 = arith.index_cast %add3A_544 : i32 to index
        %get3A_546 = arith.constant 48 : index
        %get3A_547 = tpu.vector_load %arg8[%get3A_545, %get3A_546] {strides = array<i32>} : memref<256x64xf32, #tpu.memory_space<vmem>>, vector<16xf32>,
        %add3A_548 = arith.constant 0 : i32
        %add3A_549 = arith.addi %add3A_548, %add3A_484 : i32
        %get3A_550 = arith.index_cast %add3A_549 : i32 to index
        %get3A_551 = arith.constant 0 : index
        %get3A_552 = tpu.vector_load %arg8[%get3A_550, %get3A_551] {strides = array<i32>} : memref<256x64xf32, #tpu.memory_space<vmem>>, vector<16xf32>,
        %add3A_553 = arith.constant 0 : i32
        %add3A_554 = arith.addi %add3A_553, %add3A_488 : i32
        %get3A_555 = arith.index_cast %add3A_554 : i32 to index
        %get3A_556 = arith.constant 16 : index
        %get3A_557 = tpu.vector_load %arg8[%get3A_555, %get3A_556] {strides = array<i32>} : memref<256x64xf32, #tpu.memory_space<vmem>>, vector<16xf32>,
        %add3A_558 = arith.constant 0 : i32
        %add3A_559 = arith.addi %add3A_558, %add3A_492 : i32
        %get3A_560 = arith.index_cast %add3A_559 : i32 to index
        %get3A_561 = arith.constant 32 : index
        %get3A_562 = tpu.vector_load %arg8[%get3A_560, %get3A_561] {strides = array<i32>} : memref<256x64xf32, #tpu.memory_space<vmem>>, vector<16xf32>,
        %add3A_563 = arith.constant 0 : i32
        %add3A_564 = arith.addi %add3A_563, %add3A_496 : i32
        %get3A_565 = arith.index_cast %add3A_564 : i32 to index
        %get3A_566 = arith.constant 48 : index
        %get3A_567 = tpu.vector_load %arg8[%get3A_565, %get3A_566] {strides = array<i32>} : memref<256x64xf32, #tpu.memory_space<vmem>>, vector<16xf32>,
        %add3A_568 = arith.constant 0 : i32
        %add3A_569 = arith.addi %add3A_568, %add3A_500 : i32
        %get3A_570 = arith.index_cast %add3A_569 : i32 to index
        %get3A_571 = arith.constant 0 : index
        %get3A_572 = tpu.vector_load %arg8[%get3A_570, %get3A_571] {strides = array<i32>} : memref<256x64xf32, #tpu.memory_space<vmem>>, vector<16xf32>,
        %add3A_573 = arith.constant 0 : i32
        %add3A_574 = arith.addi %add3A_573, %add3A_504 : i32
        %get3A_575 = arith.index_cast %add3A_574 : i32 to index
        %get3A_576 = arith.constant 16 : index
        %get3A_577 = tpu.vector_load %arg8[%get3A_575, %get3A_576] {strides = array<i32>} : memref<256x64xf32, #tpu.memory_space<vmem>>, vector<16xf32>,
        %add3A_578 = arith.constant 0 : i32
        %add3A_579 = arith.addi %add3A_578, %add3A_508 : i32
        %get3A_580 = arith.index_cast %add3A_579 : i32 to index
        %get3A_581 = arith.constant 32 : index
        %get3A_582 = tpu.vector_load %arg8[%get3A_580, %get3A_581] {strides = array<i32>} : memref<256x64xf32, #tpu.memory_space<vmem>>, vector<16xf32>,
        %add3A_583 = arith.constant 0 : i32
        %add3A_584 = arith.addi %add3A_583, %add3A_512 : i32
        %get3A_585 = arith.index_cast %add3A_584 : i32 to index
        %get3A_586 = arith.constant 48 : index
        %get3A_587 = tpu.vector_load %arg8[%get3A_585, %get3A_586] {strides = array<i32>} : memref<256x64xf32, #tpu.memory_space<vmem>>, vector<16xf32>,
        %add3A_588 = arith.constant 0 : i32
        %add3A_589 = arith.addi %add3A_588, %add3A_516 : i32
        %get3A_590 = arith.index_cast %add3A_589 : i32 to index
        %get3A_591 = arith.constant 0 : index
        %get3A_592 = tpu.vector_load %arg8[%get3A_590, %get3A_591] {strides = array<i32>} : memref<256x64xf32, #tpu.memory_space<vmem>>, vector<16xf32>,
        %add3A_593 = arith.constant 0 : i32
        %add3A_594 = arith.addi %add3A_593, %add3A_520 : i32
        %get3A_595 = arith.index_cast %add3A_594 : i32 to index
        %get3A_596 = arith.constant 16 : index
        %get3A_597 = tpu.vector_load %arg8[%get3A_595, %get3A_596] {strides = array<i32>} : memref<256x64xf32, #tpu.memory_space<vmem>>, vector<16xf32>,
        %add3A_598 = arith.constant 0 : i32
        %add3A_599 = arith.addi %add3A_598, %add3A_524 : i32
        %get3A_600 = arith.index_cast %add3A_599 : i32 to index
        %get3A_601 = arith.constant 32 : index
        %get3A_602 = tpu.vector_load %arg8[%get3A_600, %get3A_601] {strides = array<i32>} : memref<256x64xf32, #tpu.memory_space<vmem>>, vector<16xf32>,
        %add3A_603 = arith.constant 0 : i32
        %add3A_604 = arith.addi %add3A_603, %add3A_528 : i32
        %get3A_605 = arith.index_cast %add3A_604 : i32 to index
        %get3A_606 = arith.constant 48 : index
        %get3A_607 = tpu.vector_load %arg8[%get3A_605, %get3A_606] {strides = array<i32>} : memref<256x64xf32, #tpu.memory_space<vmem>>, vector<16xf32>,
        %broadcast_in_dim3A = vector.broadcast %add3A_468 : i32 to vector<16xi32>
        tpu.vector_store_idx %arg11[%select_n3A, %select_n3A_157, %broadcast_in_dim3A], %get3A_532 : memref<8x8x133xf32, #tpu.memory_space<vmem>>[vector<16xi32>, vector<16xi32>, vector<16xi32>], vector<16xf32>,
        %broadcast_in_dim3A_608 = vector.broadcast %add3A_472 : i32 to vector<16xi32>
        tpu.vector_store_idx %arg11[%select_n3A_66, %select_n3A_182, %broadcast_in_dim3A_608], %get3A_537 : memref<8x8x133xf32, #tpu.memory_space<vmem>>[vector<16xi32>, vector<16xi32>, vector<16xi32>], vector<16xf32>,
        %broadcast_in_dim3A_609 = vector.broadcast %add3A_476 : i32 to vector<16xi32>
        tpu.vector_store_idx %arg11[%select_n3A_100, %select_n3A_207, %broadcast_in_dim3A_609], %get3A_542 : memref<8x8x133xf32, #tpu.memory_space<vmem>>[vector<16xi32>, vector<16xi32>, vector<16xi32>], vector<16xf32>,
        %broadcast_in_dim3A_610 = vector.broadcast %add3A_480 : i32 to vector<16xi32>
        tpu.vector_store_idx %arg11[%select_n3A_134, %select_n3A_232, %broadcast_in_dim3A_610], %get3A_547 : memref<8x8x133xf32, #tpu.memory_space<vmem>>[vector<16xi32>, vector<16xi32>, vector<16xi32>], vector<16xf32>,
        %broadcast_in_dim3A_611 = vector.broadcast %add3A_484 : i32 to vector<16xi32>
        tpu.vector_store_idx %arg11[%select_n3A, %select_n3A_157, %broadcast_in_dim3A_611], %get3A_552 : memref<8x8x133xf32, #tpu.memory_space<vmem>>[vector<16xi32>, vector<16xi32>, vector<16xi32>], vector<16xf32>,
        %broadcast_in_dim3A_612 = vector.broadcast %add3A_488 : i32 to vector<16xi32>
        tpu.vector_store_idx %arg11[%select_n3A_66, %select_n3A_182, %broadcast_in_dim3A_612], %get3A_557 : memref<8x8x133xf32, #tpu.memory_space<vmem>>[vector<16xi32>, vector<16xi32>, vector<16xi32>], vector<16xf32>,
        %broadcast_in_dim3A_613 = vector.broadcast %add3A_492 : i32 to vector<16xi32>
        tpu.vector_store_idx %arg11[%select_n3A_100, %select_n3A_207, %broadcast_in_dim3A_613], %get3A_562 : memref<8x8x133xf32, #tpu.memory_space<vmem>>[vector<16xi32>, vector<16xi32>, vector<16xi32>], vector<16xf32>,
        %broadcast_in_dim3A_614 = vector.broadcast %add3A_496 : i32 to vector<16xi32>
        tpu.vector_store_idx %arg11[%select_n3A_134, %select_n3A_232, %broadcast_in_dim3A_614], %get3A_567 : memref<8x8x133xf32, #tpu.memory_space<vmem>>[vector<16xi32>, vector<16xi32>, vector<16xi32>], vector<16xf32>,
        %broadcast_in_dim3A_615 = vector.broadcast %add3A_500 : i32 to vector<16xi32>
        tpu.vector_store_idx %arg11[%select_n3A, %select_n3A_157, %broadcast_in_dim3A_615], %get3A_572 : memref<8x8x133xf32, #tpu.memory_space<vmem>>[vector<16xi32>, vector<16xi32>, vector<16xi32>], vector<16xf32>,
        %broadcast_in_dim3A_616 = vector.broadcast %add3A_504 : i32 to vector<16xi32>
        tpu.vector_store_idx %arg11[%select_n3A_66, %select_n3A_182, %broadcast_in_dim3A_616], %get3A_577 : memref<8x8x133xf32, #tpu.memory_space<vmem>>[vector<16xi32>, vector<16xi32>, vector<16xi32>], vector<16xf32>,
        %broadcast_in_dim3A_617 = vector.broadcast %add3A_508 : i32 to vector<16xi32>
        tpu.vector_store_idx %arg11[%select_n3A_100, %select_n3A_207, %broadcast_in_dim3A_617], %get3A_582 : memref<8x8x133xf32, #tpu.memory_space<vmem>>[vector<16xi32>, vector<16xi32>, vector<16xi32>], vector<16xf32>,
        %broadcast_in_dim3A_618 = vector.broadcast %add3A_512 : i32 to vector<16xi32>
        tpu.vector_store_idx %arg11[%select_n3A_134, %select_n3A_232, %broadcast_in_dim3A_618], %get3A_587 : memref<8x8x133xf32, #tpu.memory_space<vmem>>[vector<16xi32>, vector<16xi32>, vector<16xi32>], vector<16xf32>,
        %broadcast_in_dim3A_619 = vector.broadcast %add3A_516 : i32 to vector<16xi32>
        tpu.vector_store_idx %arg11[%select_n3A, %select_n3A_157, %broadcast_in_dim3A_619], %get3A_592 : memref<8x8x133xf32, #tpu.memory_space<vmem>>[vector<16xi32>, vector<16xi32>, vector<16xi32>], vector<16xf32>,
        %broadcast_in_dim3A_620 = vector.broadcast %add3A_520 : i32 to vector<16xi32>
        tpu.vector_store_idx %arg11[%select_n3A_66, %select_n3A_182, %broadcast_in_dim3A_620], %get3A_597 : memref<8x8x133xf32, #tpu.memory_space<vmem>>[vector<16xi32>, vector<16xi32>, vector<16xi32>], vector<16xf32>,
        %broadcast_in_dim3A_621 = vector.broadcast %add3A_524 : i32 to vector<16xi32>
        tpu.vector_store_idx %arg11[%select_n3A_100, %select_n3A_207, %broadcast_in_dim3A_621], %get3A_602 : memref<8x8x133xf32, #tpu.memory_space<vmem>>[vector<16xi32>, vector<16xi32>, vector<16xi32>], vector<16xf32>,
        %broadcast_in_dim3A_622 = vector.broadcast %add3A_528 : i32 to vector<16xi32>
        tpu.vector_store_idx %arg11[%select_n3A_134, %select_n3A_232, %broadcast_in_dim3A_622], %get3A_607 : memref<8x8x133xf32, #tpu.memory_space<vmem>>[vector<16xi32>, vector<16xi32>, vector<16xi32>], vector<16xf32>,
      }
      %scan3A_413 = arith.constant 32 : i32
      %add3A_414 = arith.constant 2 : i32
      %add3A_415 = arith.addi %mul3A_319, %add3A_414 : i32
      %dma_start3A_416 = arith.constant 0 : i32
      %dma_start3A_417 = arith.constant 0 : i32
      %dma_start3A_418 = arith.constant 0 : i32
      %dma_start3A_419 = tpu.memref_slice %arg11[%dma_start3A_416, %dma_start3A_417, %dma_start3A_418] : memref<8x8x133xf32, #tpu.memory_space<vmem>> -> memref<8x8x128xf32, #tpu.memory_space<vmem>>
      %dma_start3A_420 = arith.constant 0 : i32
      %dma_start3A_421 = arith.constant 0 : i32
      %dma_start3A_422 = arith.constant 0 : i32
      %dma_start3A_423 = tpu.memref_slice %arg4[%add3A_415, %dma_start3A_420, %add3A, %dma_start3A_421, %dma_start3A_422] : memref<200x8x32x8x128xf32, #tpu.memory_space<hbm>> -> memref<1x8x1x8x128xf32, #tpu.memory_space<hbm>>
      %dma_start3A_424 = tpu.memref_squeeze %dma_start3A_423 : memref<1x8x1x8x128xf32, #tpu.memory_space<hbm>> -> memref<8x8x128xf32, #tpu.memory_space<hbm>>
      %dma_start3A_425 = arith.constant 0 : i32
      %dma_start3A_426 = arith.constant 0 : i32
      %dma_start3A_427 = arith.constant 0 : i32
      %dma_start3A_428 = tpu.memref_slice %arg4[%add3A_415, %dma_start3A_425, %add3A, %dma_start3A_426, %dma_start3A_427] : memref<200x8x32x8x128xf32, #tpu.memory_space<hbm>> -> memref<1x8x1x8x128xf32, #tpu.memory_space<hbm>>
      %dma_start3A_429 = tpu.memref_squeeze %dma_start3A_428 : memref<1x8x1x8x128xf32, #tpu.memory_space<hbm>> -> memref<8x8x128xf32, #tpu.memory_space<hbm>>
      %dma_start3A_430 = arith.constant 0 : i32
      %dma_start3A_431 = arith.constant 0 : i32
      %dma_start3A_432 = arith.constant 0 : i32
      %dma_start3A_433 = tpu.memref_slice %arg11[%dma_start3A_430, %dma_start3A_431, %dma_start3A_432] : memref<8x8x133xf32, #tpu.memory_space<vmem>> -> memref<8x8x128xf32, #tpu.memory_space<vmem>>
      tpu.enqueue_dma source(%dma_start3A_433 : memref<8x8x128xf32, #tpu.memory_space<vmem>>) target(%dma_start3A_429 : memref<8x8x128xf32, #tpu.memory_space<hbm>>) target_semaphore(%arg17 : memref<!tpu.dma_semaphore, #tpu.memory_space<semaphore_mem>>)
      %gt3A_434 = arith.constant 0 : i32
      %gt3A_435 = arith.cmpi sgt, %scan3A_317, %gt3A_434 : i32
      %convert_element_type3A_436 = arith.extui %gt3A_435 : i1 to i32
      %cond3A_437 = arith.constant 0 : i32
      %cond3A_438 = arith.cmpi ne, %convert_element_type3A_436, %cond3A_437 : i32
      scf.if %cond3A_438 {
        %add3A_464 = arith.constant 3 : i32
        %add3A_465 = arith.addi %mul3A_319, %add3A_464 : i32
        %sub3A_466 = arith.constant 4 : i32
        %sub3A_467 = arith.subi %add3A_465, %sub3A_466 : i32
        %dma_wait3A_468 = arith.constant 0 : i32
        %dma_wait3A_469 = arith.constant 0 : i32
        %dma_wait3A_470 = arith.constant 0 : i32
        %dma_wait3A_471 = tpu.memref_slice %arg12[%dma_wait3A_468, %dma_wait3A_469, %dma_wait3A_470] : memref<8x8x133xf32, #tpu.memory_space<vmem>> -> memref<8x8x128xf32, #tpu.memory_space<vmem>>
        %dma_wait3A_472 = arith.constant 0 : i32
        %dma_wait3A_473 = arith.constant 0 : i32
        %dma_wait3A_474 = arith.constant 0 : i32
        %dma_wait3A_475 = tpu.memref_slice %arg4[%sub3A_467, %dma_wait3A_472, %add3A, %dma_wait3A_473, %dma_wait3A_474] : memref<200x8x32x8x128xf32, #tpu.memory_space<hbm>> -> memref<1x8x1x8x128xf32, #tpu.memory_space<hbm>>
        %dma_wait3A_476 = tpu.memref_squeeze %dma_wait3A_475 : memref<1x8x1x8x128xf32, #tpu.memory_space<hbm>> -> memref<8x8x128xf32, #tpu.memory_space<hbm>>
        %dma_wait3A_477 = arith.constant 0 : i32
        %dma_wait3A_478 = arith.constant 0 : i32
        %dma_wait3A_479 = arith.constant 0 : i32
        %dma_wait3A_480 = tpu.memref_slice %arg4[%sub3A_467, %dma_wait3A_477, %add3A, %dma_wait3A_478, %dma_wait3A_479] : memref<200x8x32x8x128xf32, #tpu.memory_space<hbm>> -> memref<1x8x1x8x128xf32, #tpu.memory_space<hbm>>
        %dma_wait3A_481 = tpu.memref_squeeze %dma_wait3A_480 : memref<1x8x1x8x128xf32, #tpu.memory_space<hbm>> -> memref<8x8x128xf32, #tpu.memory_space<hbm>>
        %dma_wait3A_482 = arith.constant 0 : i32
        %dma_wait3A_483 = arith.constant 0 : i32
        %dma_wait3A_484 = arith.constant 0 : i32
        %dma_wait3A_485 = tpu.memref_slice %arg12[%dma_wait3A_482, %dma_wait3A_483, %dma_wait3A_484] : memref<8x8x133xf32, #tpu.memory_space<vmem>> -> memref<8x8x128xf32, #tpu.memory_space<vmem>>
        tpu.wait_dma2 semaphore(%arg18 : memref<!tpu.dma_semaphore, #tpu.memory_space<semaphore_mem>>) src(%dma_wait3A_485 : memref<8x8x128xf32, #tpu.memory_space<vmem>>) dst(%dma_wait3A_481 : memref<8x8x128xf32, #tpu.memory_space<hbm>>)
      } else {
      }
      %scan3A_439 = arith.constant 0 : i32
      %scan3A_440 = arith.constant 32 : i32
      %scan3A_441 = arith.addi %scan3A_439, %scan3A_440 : i32
      %scan3A_442 = arith.constant 1 : i32
      scf.for %scan3A_464 = %scan3A_439 to %scan3A_441 step %scan3A_442  : i32 {
        %mul3A_465 = arith.constant 4 : i32
        %mul3A_466 = arith.muli %mul3A_465, %scan3A_464 : i32
        %add3A_467 = arith.constant 0 : i32
        %add3A_468 = arith.addi %mul3A_466, %add3A_467 : i32
        %mul3A_469 = arith.constant 4 : i32
        %mul3A_470 = arith.muli %mul3A_469, %scan3A_464 : i32
        %add3A_471 = arith.constant 0 : i32
        %add3A_472 = arith.addi %mul3A_470, %add3A_471 : i32
        %mul3A_473 = arith.constant 4 : i32
        %mul3A_474 = arith.muli %mul3A_473, %scan3A_464 : i32
        %add3A_475 = arith.constant 0 : i32
        %add3A_476 = arith.addi %mul3A_474, %add3A_475 : i32
        %mul3A_477 = arith.constant 4 : i32
        %mul3A_478 = arith.muli %mul3A_477, %scan3A_464 : i32
        %add3A_479 = arith.constant 0 : i32
        %add3A_480 = arith.addi %mul3A_478, %add3A_479 : i32
        %mul3A_481 = arith.constant 4 : i32
        %mul3A_482 = arith.muli %mul3A_481, %scan3A_464 : i32
        %add3A_483 = arith.constant 1 : i32
        %add3A_484 = arith.addi %mul3A_482, %add3A_483 : i32
        %mul3A_485 = arith.constant 4 : i32
        %mul3A_486 = arith.muli %mul3A_485, %scan3A_464 : i32
        %add3A_487 = arith.constant 1 : i32
        %add3A_488 = arith.addi %mul3A_486, %add3A_487 : i32
        %mul3A_489 = arith.constant 4 : i32
        %mul3A_490 = arith.muli %mul3A_489, %scan3A_464 : i32
        %add3A_491 = arith.constant 1 : i32
        %add3A_492 = arith.addi %mul3A_490, %add3A_491 : i32
        %mul3A_493 = arith.constant 4 : i32
        %mul3A_494 = arith.muli %mul3A_493, %scan3A_464 : i32
        %add3A_495 = arith.constant 1 : i32
        %add3A_496 = arith.addi %mul3A_494, %add3A_495 : i32
        %mul3A_497 = arith.constant 4 : i32
        %mul3A_498 = arith.muli %mul3A_497, %scan3A_464 : i32
        %add3A_499 = arith.constant 2 : i32
        %add3A_500 = arith.addi %mul3A_498, %add3A_499 : i32
        %mul3A_501 = arith.constant 4 : i32
        %mul3A_502 = arith.muli %mul3A_501, %scan3A_464 : i32
        %add3A_503 = arith.constant 2 : i32
        %add3A_504 = arith.addi %mul3A_502, %add3A_503 : i32
        %mul3A_505 = arith.constant 4 : i32
        %mul3A_506 = arith.muli %mul3A_505, %scan3A_464 : i32
        %add3A_507 = arith.constant 2 : i32
        %add3A_508 = arith.addi %mul3A_506, %add3A_507 : i32
        %mul3A_509 = arith.constant 4 : i32
        %mul3A_510 = arith.muli %mul3A_509, %scan3A_464 : i32
        %add3A_511 = arith.constant 2 : i32
        %add3A_512 = arith.addi %mul3A_510, %add3A_511 : i32
        %mul3A_513 = arith.constant 4 : i32
        %mul3A_514 = arith.muli %mul3A_513, %scan3A_464 : i32
        %add3A_515 = arith.constant 3 : i32
        %add3A_516 = arith.addi %mul3A_514, %add3A_515 : i32
        %mul3A_517 = arith.constant 4 : i32
        %mul3A_518 = arith.muli %mul3A_517, %scan3A_464 : i32
        %add3A_519 = arith.constant 3 : i32
        %add3A_520 = arith.addi %mul3A_518, %add3A_519 : i32
        %mul3A_521 = arith.constant 4 : i32
        %mul3A_522 = arith.muli %mul3A_521, %scan3A_464 : i32
        %add3A_523 = arith.constant 3 : i32
        %add3A_524 = arith.addi %mul3A_522, %add3A_523 : i32
        %mul3A_525 = arith.constant 4 : i32
        %mul3A_526 = arith.muli %mul3A_525, %scan3A_464 : i32
        %add3A_527 = arith.constant 3 : i32
        %add3A_528 = arith.addi %mul3A_526, %add3A_527 : i32
        %add3A_529 = arith.constant 128 : i32
        %add3A_530 = arith.addi %add3A_529, %add3A_468 : i32
        %get3A = arith.index_cast %add3A_530 : i32 to index
        %get3A_531 = arith.constant 0 : index
        %get3A_532 = tpu.vector_load %arg8[%get3A, %get3A_531] {strides = array<i32>} : memref<256x64xf32, #tpu.memory_space<vmem>>, vector<16xf32>,
        %add3A_533 = arith.constant 128 : i32
        %add3A_534 = arith.addi %add3A_533, %add3A_472 : i32
        %get3A_535 = arith.index_cast %add3A_534 : i32 to index
        %get3A_536 = arith.constant 16 : index
        %get3A_537 = tpu.vector_load %arg8[%get3A_535, %get3A_536] {strides = array<i32>} : memref<256x64xf32, #tpu.memory_space<vmem>>, vector<16xf32>,
        %add3A_538 = arith.constant 128 : i32
        %add3A_539 = arith.addi %add3A_538, %add3A_476 : i32
        %get3A_540 = arith.index_cast %add3A_539 : i32 to index
        %get3A_541 = arith.constant 32 : index
        %get3A_542 = tpu.vector_load %arg8[%get3A_540, %get3A_541] {strides = array<i32>} : memref<256x64xf32, #tpu.memory_space<vmem>>, vector<16xf32>,
        %add3A_543 = arith.constant 128 : i32
        %add3A_544 = arith.addi %add3A_543, %add3A_480 : i32
        %get3A_545 = arith.index_cast %add3A_544 : i32 to index
        %get3A_546 = arith.constant 48 : index
        %get3A_547 = tpu.vector_load %arg8[%get3A_545, %get3A_546] {strides = array<i32>} : memref<256x64xf32, #tpu.memory_space<vmem>>, vector<16xf32>,
        %add3A_548 = arith.constant 128 : i32
        %add3A_549 = arith.addi %add3A_548, %add3A_484 : i32
        %get3A_550 = arith.index_cast %add3A_549 : i32 to index
        %get3A_551 = arith.constant 0 : index
        %get3A_552 = tpu.vector_load %arg8[%get3A_550, %get3A_551] {strides = array<i32>} : memref<256x64xf32, #tpu.memory_space<vmem>>, vector<16xf32>,
        %add3A_553 = arith.constant 128 : i32
        %add3A_554 = arith.addi %add3A_553, %add3A_488 : i32
        %get3A_555 = arith.index_cast %add3A_554 : i32 to index
        %get3A_556 = arith.constant 16 : index
        %get3A_557 = tpu.vector_load %arg8[%get3A_555, %get3A_556] {strides = array<i32>} : memref<256x64xf32, #tpu.memory_space<vmem>>, vector<16xf32>,
        %add3A_558 = arith.constant 128 : i32
        %add3A_559 = arith.addi %add3A_558, %add3A_492 : i32
        %get3A_560 = arith.index_cast %add3A_559 : i32 to index
        %get3A_561 = arith.constant 32 : index
        %get3A_562 = tpu.vector_load %arg8[%get3A_560, %get3A_561] {strides = array<i32>} : memref<256x64xf32, #tpu.memory_space<vmem>>, vector<16xf32>,
        %add3A_563 = arith.constant 128 : i32
        %add3A_564 = arith.addi %add3A_563, %add3A_496 : i32
        %get3A_565 = arith.index_cast %add3A_564 : i32 to index
        %get3A_566 = arith.constant 48 : index
        %get3A_567 = tpu.vector_load %arg8[%get3A_565, %get3A_566] {strides = array<i32>} : memref<256x64xf32, #tpu.memory_space<vmem>>, vector<16xf32>,
        %add3A_568 = arith.constant 128 : i32
        %add3A_569 = arith.addi %add3A_568, %add3A_500 : i32
        %get3A_570 = arith.index_cast %add3A_569 : i32 to index
        %get3A_571 = arith.constant 0 : index
        %get3A_572 = tpu.vector_load %arg8[%get3A_570, %get3A_571] {strides = array<i32>} : memref<256x64xf32, #tpu.memory_space<vmem>>, vector<16xf32>,
        %add3A_573 = arith.constant 128 : i32
        %add3A_574 = arith.addi %add3A_573, %add3A_504 : i32
        %get3A_575 = arith.index_cast %add3A_574 : i32 to index
        %get3A_576 = arith.constant 16 : index
        %get3A_577 = tpu.vector_load %arg8[%get3A_575, %get3A_576] {strides = array<i32>} : memref<256x64xf32, #tpu.memory_space<vmem>>, vector<16xf32>,
        %add3A_578 = arith.constant 128 : i32
        %add3A_579 = arith.addi %add3A_578, %add3A_508 : i32
        %get3A_580 = arith.index_cast %add3A_579 : i32 to index
        %get3A_581 = arith.constant 32 : index
        %get3A_582 = tpu.vector_load %arg8[%get3A_580, %get3A_581] {strides = array<i32>} : memref<256x64xf32, #tpu.memory_space<vmem>>, vector<16xf32>,
        %add3A_583 = arith.constant 128 : i32
        %add3A_584 = arith.addi %add3A_583, %add3A_512 : i32
        %get3A_585 = arith.index_cast %add3A_584 : i32 to index
        %get3A_586 = arith.constant 48 : index
        %get3A_587 = tpu.vector_load %arg8[%get3A_585, %get3A_586] {strides = array<i32>} : memref<256x64xf32, #tpu.memory_space<vmem>>, vector<16xf32>,
        %add3A_588 = arith.constant 128 : i32
        %add3A_589 = arith.addi %add3A_588, %add3A_516 : i32
        %get3A_590 = arith.index_cast %add3A_589 : i32 to index
        %get3A_591 = arith.constant 0 : index
        %get3A_592 = tpu.vector_load %arg8[%get3A_590, %get3A_591] {strides = array<i32>} : memref<256x64xf32, #tpu.memory_space<vmem>>, vector<16xf32>,
        %add3A_593 = arith.constant 128 : i32
        %add3A_594 = arith.addi %add3A_593, %add3A_520 : i32
        %get3A_595 = arith.index_cast %add3A_594 : i32 to index
        %get3A_596 = arith.constant 16 : index
        %get3A_597 = tpu.vector_load %arg8[%get3A_595, %get3A_596] {strides = array<i32>} : memref<256x64xf32, #tpu.memory_space<vmem>>, vector<16xf32>,
        %add3A_598 = arith.constant 128 : i32
        %add3A_599 = arith.addi %add3A_598, %add3A_524 : i32
        %get3A_600 = arith.index_cast %add3A_599 : i32 to index
        %get3A_601 = arith.constant 32 : index
        %get3A_602 = tpu.vector_load %arg8[%get3A_600, %get3A_601] {strides = array<i32>} : memref<256x64xf32, #tpu.memory_space<vmem>>, vector<16xf32>,
        %add3A_603 = arith.constant 128 : i32
        %add3A_604 = arith.addi %add3A_603, %add3A_528 : i32
        %get3A_605 = arith.index_cast %add3A_604 : i32 to index
        %get3A_606 = arith.constant 48 : index
        %get3A_607 = tpu.vector_load %arg8[%get3A_605, %get3A_606] {strides = array<i32>} : memref<256x64xf32, #tpu.memory_space<vmem>>, vector<16xf32>,
        %broadcast_in_dim3A = vector.broadcast %add3A_468 : i32 to vector<16xi32>
        tpu.vector_store_idx %arg12[%select_n3A, %select_n3A_157, %broadcast_in_dim3A], %get3A_532 : memref<8x8x133xf32, #tpu.memory_space<vmem>>[vector<16xi32>, vector<16xi32>, vector<16xi32>], vector<16xf32>,
        %broadcast_in_dim3A_608 = vector.broadcast %add3A_472 : i32 to vector<16xi32>
        tpu.vector_store_idx %arg12[%select_n3A_66, %select_n3A_182, %broadcast_in_dim3A_608], %get3A_537 : memref<8x8x133xf32, #tpu.memory_space<vmem>>[vector<16xi32>, vector<16xi32>, vector<16xi32>], vector<16xf32>,
        %broadcast_in_dim3A_609 = vector.broadcast %add3A_476 : i32 to vector<16xi32>
        tpu.vector_store_idx %arg12[%select_n3A_100, %select_n3A_207, %broadcast_in_dim3A_609], %get3A_542 : memref<8x8x133xf32, #tpu.memory_space<vmem>>[vector<16xi32>, vector<16xi32>, vector<16xi32>], vector<16xf32>,
        %broadcast_in_dim3A_610 = vector.broadcast %add3A_480 : i32 to vector<16xi32>
        tpu.vector_store_idx %arg12[%select_n3A_134, %select_n3A_232, %broadcast_in_dim3A_610], %get3A_547 : memref<8x8x133xf32, #tpu.memory_space<vmem>>[vector<16xi32>, vector<16xi32>, vector<16xi32>], vector<16xf32>,
        %broadcast_in_dim3A_611 = vector.broadcast %add3A_484 : i32 to vector<16xi32>
        tpu.vector_store_idx %arg12[%select_n3A, %select_n3A_157, %broadcast_in_dim3A_611], %get3A_552 : memref<8x8x133xf32, #tpu.memory_space<vmem>>[vector<16xi32>, vector<16xi32>, vector<16xi32>], vector<16xf32>,
        %broadcast_in_dim3A_612 = vector.broadcast %add3A_488 : i32 to vector<16xi32>
        tpu.vector_store_idx %arg12[%select_n3A_66, %select_n3A_182, %broadcast_in_dim3A_612], %get3A_557 : memref<8x8x133xf32, #tpu.memory_space<vmem>>[vector<16xi32>, vector<16xi32>, vector<16xi32>], vector<16xf32>,
        %broadcast_in_dim3A_613 = vector.broadcast %add3A_492 : i32 to vector<16xi32>
        tpu.vector_store_idx %arg12[%select_n3A_100, %select_n3A_207, %broadcast_in_dim3A_613], %get3A_562 : memref<8x8x133xf32, #tpu.memory_space<vmem>>[vector<16xi32>, vector<16xi32>, vector<16xi32>], vector<16xf32>,
        %broadcast_in_dim3A_614 = vector.broadcast %add3A_496 : i32 to vector<16xi32>
        tpu.vector_store_idx %arg12[%select_n3A_134, %select_n3A_232, %broadcast_in_dim3A_614], %get3A_567 : memref<8x8x133xf32, #tpu.memory_space<vmem>>[vector<16xi32>, vector<16xi32>, vector<16xi32>], vector<16xf32>,
        %broadcast_in_dim3A_615 = vector.broadcast %add3A_500 : i32 to vector<16xi32>
        tpu.vector_store_idx %arg12[%select_n3A, %select_n3A_157, %broadcast_in_dim3A_615], %get3A_572 : memref<8x8x133xf32, #tpu.memory_space<vmem>>[vector<16xi32>, vector<16xi32>, vector<16xi32>], vector<16xf32>,
        %broadcast_in_dim3A_616 = vector.broadcast %add3A_504 : i32 to vector<16xi32>
        tpu.vector_store_idx %arg12[%select_n3A_66, %select_n3A_182, %broadcast_in_dim3A_616], %get3A_577 : memref<8x8x133xf32, #tpu.memory_space<vmem>>[vector<16xi32>, vector<16xi32>, vector<16xi32>], vector<16xf32>,
        %broadcast_in_dim3A_617 = vector.broadcast %add3A_508 : i32 to vector<16xi32>
        tpu.vector_store_idx %arg12[%select_n3A_100, %select_n3A_207, %broadcast_in_dim3A_617], %get3A_582 : memref<8x8x133xf32, #tpu.memory_space<vmem>>[vector<16xi32>, vector<16xi32>, vector<16xi32>], vector<16xf32>,
        %broadcast_in_dim3A_618 = vector.broadcast %add3A_512 : i32 to vector<16xi32>
        tpu.vector_store_idx %arg12[%select_n3A_134, %select_n3A_232, %broadcast_in_dim3A_618], %get3A_587 : memref<8x8x133xf32, #tpu.memory_space<vmem>>[vector<16xi32>, vector<16xi32>, vector<16xi32>], vector<16xf32>,
        %broadcast_in_dim3A_619 = vector.broadcast %add3A_516 : i32 to vector<16xi32>
        tpu.vector_store_idx %arg12[%select_n3A, %select_n3A_157, %broadcast_in_dim3A_619], %get3A_592 : memref<8x8x133xf32, #tpu.memory_space<vmem>>[vector<16xi32>, vector<16xi32>, vector<16xi32>], vector<16xf32>,
        %broadcast_in_dim3A_620 = vector.broadcast %add3A_520 : i32 to vector<16xi32>
        tpu.vector_store_idx %arg12[%select_n3A_66, %select_n3A_182, %broadcast_in_dim3A_620], %get3A_597 : memref<8x8x133xf32, #tpu.memory_space<vmem>>[vector<16xi32>, vector<16xi32>, vector<16xi32>], vector<16xf32>,
        %broadcast_in_dim3A_621 = vector.broadcast %add3A_524 : i32 to vector<16xi32>
        tpu.vector_store_idx %arg12[%select_n3A_100, %select_n3A_207, %broadcast_in_dim3A_621], %get3A_602 : memref<8x8x133xf32, #tpu.memory_space<vmem>>[vector<16xi32>, vector<16xi32>, vector<16xi32>], vector<16xf32>,
        %broadcast_in_dim3A_622 = vector.broadcast %add3A_528 : i32 to vector<16xi32>
        tpu.vector_store_idx %arg12[%select_n3A_134, %select_n3A_232, %broadcast_in_dim3A_622], %get3A_607 : memref<8x8x133xf32, #tpu.memory_space<vmem>>[vector<16xi32>, vector<16xi32>, vector<16xi32>], vector<16xf32>,
      }
      %scan3A_443 = arith.constant 32 : i32
      %add3A_444 = arith.constant 3 : i32
      %add3A_445 = arith.addi %mul3A_319, %add3A_444 : i32
      %dma_start3A_446 = arith.constant 0 : i32
      %dma_start3A_447 = arith.constant 0 : i32
      %dma_start3A_448 = arith.constant 0 : i32
      %dma_start3A_449 = tpu.memref_slice %arg12[%dma_start3A_446, %dma_start3A_447, %dma_start3A_448] : memref<8x8x133xf32, #tpu.memory_space<vmem>> -> memref<8x8x128xf32, #tpu.memory_space<vmem>>
      %dma_start3A_450 = arith.constant 0 : i32
      %dma_start3A_451 = arith.constant 0 : i32
      %dma_start3A_452 = arith.constant 0 : i32
      %dma_start3A_453 = tpu.memref_slice %arg4[%add3A_445, %dma_start3A_450, %add3A, %dma_start3A_451, %dma_start3A_452] : memref<200x8x32x8x128xf32, #tpu.memory_space<hbm>> -> memref<1x8x1x8x128xf32, #tpu.memory_space<hbm>>
      %dma_start3A_454 = tpu.memref_squeeze %dma_start3A_453 : memref<1x8x1x8x128xf32, #tpu.memory_space<hbm>> -> memref<8x8x128xf32, #tpu.memory_space<hbm>>
      %dma_start3A_455 = arith.constant 0 : i32
      %dma_start3A_456 = arith.constant 0 : i32
      %dma_start3A_457 = arith.constant 0 : i32
      %dma_start3A_458 = tpu.memref_slice %arg4[%add3A_445, %dma_start3A_455, %add3A, %dma_start3A_456, %dma_start3A_457] : memref<200x8x32x8x128xf32, #tpu.memory_space<hbm>> -> memref<1x8x1x8x128xf32, #tpu.memory_space<hbm>>
      %dma_start3A_459 = tpu.memref_squeeze %dma_start3A_458 : memref<1x8x1x8x128xf32, #tpu.memory_space<hbm>> -> memref<8x8x128xf32, #tpu.memory_space<hbm>>
      %dma_start3A_460 = arith.constant 0 : i32
      %dma_start3A_461 = arith.constant 0 : i32
      %dma_start3A_462 = arith.constant 0 : i32
      %dma_start3A_463 = tpu.memref_slice %arg12[%dma_start3A_460, %dma_start3A_461, %dma_start3A_462] : memref<8x8x133xf32, #tpu.memory_space<vmem>> -> memref<8x8x128xf32, #tpu.memory_space<vmem>>
      tpu.enqueue_dma source(%dma_start3A_463 : memref<8x8x128xf32, #tpu.memory_space<vmem>>) target(%dma_start3A_459 : memref<8x8x128xf32, #tpu.memory_space<hbm>>) target_semaphore(%arg18 : memref<!tpu.dma_semaphore, #tpu.memory_space<semaphore_mem>>)
    }
    %scan3A_241 = arith.constant 50 : i32
    %dma_wait3A = arith.constant 196 : i32
    %dma_wait3A_242 = arith.constant 0 : i32
    %dma_wait3A_243 = arith.constant 0 : i32
    %dma_wait3A_244 = arith.constant 0 : i32
    %dma_wait3A_245 = tpu.memref_slice %arg9[%dma_wait3A_242, %dma_wait3A_243, %dma_wait3A_244] : memref<8x8x133xf32, #tpu.memory_space<vmem>> -> memref<8x8x128xf32, #tpu.memory_space<vmem>>
    %dma_wait3A_246 = arith.constant 0 : i32
    %dma_wait3A_247 = arith.constant 0 : i32
    %dma_wait3A_248 = arith.constant 0 : i32
    %dma_wait3A_249 = tpu.memref_slice %arg4[%dma_wait3A, %dma_wait3A_246, %add3A, %dma_wait3A_247, %dma_wait3A_248] : memref<200x8x32x8x128xf32, #tpu.memory_space<hbm>> -> memref<1x8x1x8x128xf32, #tpu.memory_space<hbm>>
    %dma_wait3A_250 = tpu.memref_squeeze %dma_wait3A_249 : memref<1x8x1x8x128xf32, #tpu.memory_space<hbm>> -> memref<8x8x128xf32, #tpu.memory_space<hbm>>
    %dma_wait3A_251 = arith.constant 0 : i32
    %dma_wait3A_252 = arith.constant 0 : i32
    %dma_wait3A_253 = arith.constant 0 : i32
    %dma_wait3A_254 = tpu.memref_slice %arg4[%dma_wait3A, %dma_wait3A_251, %add3A, %dma_wait3A_252, %dma_wait3A_253] : memref<200x8x32x8x128xf32, #tpu.memory_space<hbm>> -> memref<1x8x1x8x128xf32, #tpu.memory_space<hbm>>
    %dma_wait3A_255 = tpu.memref_squeeze %dma_wait3A_254 : memref<1x8x1x8x128xf32, #tpu.memory_space<hbm>> -> memref<8x8x128xf32, #tpu.memory_space<hbm>>
    %dma_wait3A_256 = arith.constant 0 : i32
    %dma_wait3A_257 = arith.constant 0 : i32
    %dma_wait3A_258 = arith.constant 0 : i32
    %dma_wait3A_259 = tpu.memref_slice %arg9[%dma_wait3A_256, %dma_wait3A_257, %dma_wait3A_258] : memref<8x8x133xf32, #tpu.memory_space<vmem>> -> memref<8x8x128xf32, #tpu.memory_space<vmem>>
    tpu.wait_dma2 semaphore(%arg15 : memref<!tpu.dma_semaphore, #tpu.memory_space<semaphore_mem>>) src(%dma_wait3A_259 : memref<8x8x128xf32, #tpu.memory_space<vmem>>) dst(%dma_wait3A_255 : memref<8x8x128xf32, #tpu.memory_space<hbm>>)
    %dma_wait3A_260 = arith.constant 197 : i32
    %dma_wait3A_261 = arith.constant 0 : i32
    %dma_wait3A_262 = arith.constant 0 : i32
    %dma_wait3A_263 = arith.constant 0 : i32
    %dma_wait3A_264 = tpu.memref_slice %arg10[%dma_wait3A_261, %dma_wait3A_262, %dma_wait3A_263] : memref<8x8x133xf32, #tpu.memory_space<vmem>> -> memref<8x8x128xf32, #tpu.memory_space<vmem>>
    %dma_wait3A_265 = arith.constant 0 : i32
    %dma_wait3A_266 = arith.constant 0 : i32
    %dma_wait3A_267 = arith.constant 0 : i32
    %dma_wait3A_268 = tpu.memref_slice %arg4[%dma_wait3A_260, %dma_wait3A_265, %add3A, %dma_wait3A_266, %dma_wait3A_267] : memref<200x8x32x8x128xf32, #tpu.memory_space<hbm>> -> memref<1x8x1x8x128xf32, #tpu.memory_space<hbm>>
    %dma_wait3A_269 = tpu.memref_squeeze %dma_wait3A_268 : memref<1x8x1x8x128xf32, #tpu.memory_space<hbm>> -> memref<8x8x128xf32, #tpu.memory_space<hbm>>
    %dma_wait3A_270 = arith.constant 0 : i32
    %dma_wait3A_271 = arith.constant 0 : i32
    %dma_wait3A_272 = arith.constant 0 : i32
    %dma_wait3A_273 = tpu.memref_slice %arg4[%dma_wait3A_260, %dma_wait3A_270, %add3A, %dma_wait3A_271, %dma_wait3A_272] : memref<200x8x32x8x128xf32, #tpu.memory_space<hbm>> -> memref<1x8x1x8x128xf32, #tpu.memory_space<hbm>>
    %dma_wait3A_274 = tpu.memref_squeeze %dma_wait3A_273 : memref<1x8x1x8x128xf32, #tpu.memory_space<hbm>> -> memref<8x8x128xf32, #tpu.memory_space<hbm>>
    %dma_wait3A_275 = arith.constant 0 : i32
    %dma_wait3A_276 = arith.constant 0 : i32
    %dma_wait3A_277 = arith.constant 0 : i32
    %dma_wait3A_278 = tpu.memref_slice %arg10[%dma_wait3A_275, %dma_wait3A_276, %dma_wait3A_277] : memref<8x8x133xf32, #tpu.memory_space<vmem>> -> memref<8x8x128xf32, #tpu.memory_space<vmem>>
    tpu.wait_dma2 semaphore(%arg16 : memref<!tpu.dma_semaphore, #tpu.memory_space<semaphore_mem>>) src(%dma_wait3A_278 : memref<8x8x128xf32, #tpu.memory_space<vmem>>) dst(%dma_wait3A_274 : memref<8x8x128xf32, #tpu.memory_space<hbm>>)
    %dma_wait3A_279 = arith.constant 198 : i32
    %dma_wait3A_280 = arith.constant 0 : i32
    %dma_wait3A_281 = arith.constant 0 : i32
    %dma_wait3A_282 = arith.constant 0 : i32
    %dma_wait3A_283 = tpu.memref_slice %arg11[%dma_wait3A_280, %dma_wait3A_281, %dma_wait3A_282] : memref<8x8x133xf32, #tpu.memory_space<vmem>> -> memref<8x8x128xf32, #tpu.memory_space<vmem>>
    %dma_wait3A_284 = arith.constant 0 : i32
    %dma_wait3A_285 = arith.constant 0 : i32
    %dma_wait3A_286 = arith.constant 0 : i32
    %dma_wait3A_287 = tpu.memref_slice %arg4[%dma_wait3A_279, %dma_wait3A_284, %add3A, %dma_wait3A_285, %dma_wait3A_286] : memref<200x8x32x8x128xf32, #tpu.memory_space<hbm>> -> memref<1x8x1x8x128xf32, #tpu.memory_space<hbm>>
    %dma_wait3A_288 = tpu.memref_squeeze %dma_wait3A_287 : memref<1x8x1x8x128xf32, #tpu.memory_space<hbm>> -> memref<8x8x128xf32, #tpu.memory_space<hbm>>
    %dma_wait3A_289 = arith.constant 0 : i32
    %dma_wait3A_290 = arith.constant 0 : i32
    %dma_wait3A_291 = arith.constant 0 : i32
    %dma_wait3A_292 = tpu.memref_slice %arg4[%dma_wait3A_279, %dma_wait3A_289, %add3A, %dma_wait3A_290, %dma_wait3A_291] : memref<200x8x32x8x128xf32, #tpu.memory_space<hbm>> -> memref<1x8x1x8x128xf32, #tpu.memory_space<hbm>>
    %dma_wait3A_293 = tpu.memref_squeeze %dma_wait3A_292 : memref<1x8x1x8x128xf32, #tpu.memory_space<hbm>> -> memref<8x8x128xf32, #tpu.memory_space<hbm>>
    %dma_wait3A_294 = arith.constant 0 : i32
    %dma_wait3A_295 = arith.constant 0 : i32
    %dma_wait3A_296 = arith.constant 0 : i32
    %dma_wait3A_297 = tpu.memref_slice %arg11[%dma_wait3A_294, %dma_wait3A_295, %dma_wait3A_296] : memref<8x8x133xf32, #tpu.memory_space<vmem>> -> memref<8x8x128xf32, #tpu.memory_space<vmem>>
    tpu.wait_dma2 semaphore(%arg17 : memref<!tpu.dma_semaphore, #tpu.memory_space<semaphore_mem>>) src(%dma_wait3A_297 : memref<8x8x128xf32, #tpu.memory_space<vmem>>) dst(%dma_wait3A_293 : memref<8x8x128xf32, #tpu.memory_space<hbm>>)
    %dma_wait3A_298 = arith.constant 199 : i32
    %dma_wait3A_299 = arith.constant 0 : i32
    %dma_wait3A_300 = arith.constant 0 : i32
    %dma_wait3A_301 = arith.constant 0 : i32
    %dma_wait3A_302 = tpu.memref_slice %arg12[%dma_wait3A_299, %dma_wait3A_300, %dma_wait3A_301] : memref<8x8x133xf32, #tpu.memory_space<vmem>> -> memref<8x8x128xf32, #tpu.memory_space<vmem>>
    %dma_wait3A_303 = arith.constant 0 : i32
    %dma_wait3A_304 = arith.constant 0 : i32
    %dma_wait3A_305 = arith.constant 0 : i32
    %dma_wait3A_306 = tpu.memref_slice %arg4[%dma_wait3A_298, %dma_wait3A_303, %add3A, %dma_wait3A_304, %dma_wait3A_305] : memref<200x8x32x8x128xf32, #tpu.memory_space<hbm>> -> memref<1x8x1x8x128xf32, #tpu.memory_space<hbm>>
    %dma_wait3A_307 = tpu.memref_squeeze %dma_wait3A_306 : memref<1x8x1x8x128xf32, #tpu.memory_space<hbm>> -> memref<8x8x128xf32, #tpu.memory_space<hbm>>
    %dma_wait3A_308 = arith.constant 0 : i32
    %dma_wait3A_309 = arith.constant 0 : i32
    %dma_wait3A_310 = arith.constant 0 : i32
    %dma_wait3A_311 = tpu.memref_slice %arg4[%dma_wait3A_298, %dma_wait3A_308, %add3A, %dma_wait3A_309, %dma_wait3A_310] : memref<200x8x32x8x128xf32, #tpu.memory_space<hbm>> -> memref<1x8x1x8x128xf32, #tpu.memory_space<hbm>>
    %dma_wait3A_312 = tpu.memref_squeeze %dma_wait3A_311 : memref<1x8x1x8x128xf32, #tpu.memory_space<hbm>> -> memref<8x8x128xf32, #tpu.memory_space<hbm>>
    %dma_wait3A_313 = arith.constant 0 : i32
    %dma_wait3A_314 = arith.constant 0 : i32
    %dma_wait3A_315 = arith.constant 0 : i32
    %dma_wait3A_316 = tpu.memref_slice %arg12[%dma_wait3A_313, %dma_wait3A_314, %dma_wait3A_315] : memref<8x8x133xf32, #tpu.memory_space<vmem>> -> memref<8x8x128xf32, #tpu.memory_space<vmem>>
    tpu.wait_dma2 semaphore(%arg18 : memref<!tpu.dma_semaphore, #tpu.memory_space<semaphore_mem>>) src(%dma_wait3A_316 : memref<8x8x128xf32, #tpu.memory_space<vmem>>) dst(%dma_wait3A_312 : memref<8x8x128xf32, #tpu.memory_space<hbm>>)
    return
  }
}

</mosaic_0001>

<sc_bundles>
// kernel: kernel.3.cloned.1.call-start
scs
__scs_entry_jumppad:
0x0: {  	(pc) =	sbr.rel $0x88, $3  }
0x1: {  	(tag) =	ssettag $0x0;
	lr =	simm.s32 $0x1  }
0x2: {  	[smem:$0x3F9F] =	sst lr;
	_ =	strace $0xD0000000  }
0x3: {  	_ = 	snop  }
0x4: {  	_ = 	snop  }
0x5: {  	_ = 	snop  }
0x6: {  	_ = 	snop  }
0x7: {  	_ = 	snop  }
__scs_overlays_trampoline_lowered:
0x8: {  	[smem:$0x3FAE] =	sst s0  }
0x9: {  	[smem:$0x3FAF] =	sst s1  }
0xa: {  	[smem:$0x3FB0] =	sst s2  }
0xb: {  	[smem:$0x3FB1] =	sst s3  }
0xc: {  	[smem:$0x3FB2] =	sst s4  }
0xd: {  	[smem:$0x3FB3] =	sst s5  }
0xe: {  	[smem:$0x3FB4] =	sst s6  }
0xf: {  	[smem:$0x3FB5] =	sst s7  }
0x10: {  	[smem:$0x3FB6] =	sst s8  }
0x11: {  	[smem:$0x3FB7] =	sst s9;
	s0 =	simm.s32 @!p0 $0x0  }
0x12: {  	s1 =	sld [smem:$0x3F9D];
	s0 =	simm.s32 @p0 $0x1  }
0x13: {  	[smem:$0x3FB8] =	sst s0;
	s0 =	simm.s32 @!p1 $0x0  }
0x14: {  	s2 =	sld [smem:$0x3F9C];
	s0 =	simm.s32 @p1 $0x1  }
0x15: {  	[smem:$0x3FB9] =	sst s0;
	s0 =	simm.s32 @!p2 $0x0  }
0x16: {  	s3 =	sld [smem:$0x3FDB];
	s0 =	simm.s32 @p2 $0x1  }
0x17: {  	s4 =	simm.s32 $0x1BF5;
	[smem:$0x3FBB] =	sst s0  }
0x18: {  	s0 =	sld [smem:$0x3F9E];
	_ =	swait.ge [sflag:s4], $0x0  }
0x19: {  	s7 =	sld [smem:$0x3F9F]  }
0x1a: {  	s8 =	sadd.s32 $0xFFFFE003, lr  }
0x1b: {  	s9 =	sadd.s32 $0xFFFFFEF7, lr;
	s5 =	simm.s32 $0xFFFFFFFF;
	p2 =	slt.u32 s8, $0xFFFFF086  }
0x1c: {  	p1 =	slt.u32 s9, $0xF7A;
	s5 =	simm.s32 @!p2 $0x0  }
0x1d: {  	s5 =	simm.s32 @p1 $0x1;
	p0 =	seq.s32 s7, s2  }
0x1e: {  	s7 =	smul.u32 @!p0 $0xF7A, s2;
	p2 =	seq.s32 @!p0 s5, $0x0  }
0x1f: {  	s9 =	smul.u32 $0xF7A, s1;
	s8 =	simm.s32 @!p0 $0x1BF5;
	p2 =	por !p2, p0  }
0x20: {  	[sflag:s8] =	ssyncset.s32 @!p0 $0xFFFFF086;
	s6 =	sadd.s32 @!p0 s3, s7;
	s7 =	simm.s32 @!p0 $0x108  }
0x21: {  	s3 =	sadd.s32 s3, s9;
	s6 =	sadd.s32 @!p0 $0x88, s6;
	s7 =	simm.s32 @p2 $0x1082  }
0x22: {  	[simem:s7], [sflag:s8] =	dma.local @!p0 [hbm:s6], $0xF7A  }
0x23: {  	s9 =	sor.u32 $0xD0000000, s2;
	s6 =	simm.s32 $0x108;
	_ =	swait.ge @!p0 [sflag:s8], $0x0  }
0x24: {  	s3 =	sadd.s32 $0x88, s3;
	s6 =	simm.s32 @!p1 $0x1082;
	[sflag:s4] =	ssyncset.s32 $0xFFFFF086  }
0x25: {  	[simem:s6], [sflag:s4] =	dma.local [hbm:s3], $0xF7A  }
0x26: {  	[smem:$0x3F9F] =	sst s1;
	(tag) =	ssettag s2;
	_ =	strace s9  }
0x27: {  	s1 =	sld [smem:$0x3FAF]  }
0x28: {  	s2 =	sld [smem:$0x3FB0]  }
0x29: {  	s4 =	sld [smem:$0x3FB2]  }
0x2a: {  	p0 =	seq.s32 s5, $0x0;
	s5 =	sld [smem:$0x3FB3]  }
0x2b: {  	s6 =	sld [smem:$0x3FB4]  }
0x2c: {  	s7 =	sld [smem:$0x3FB5]  }
0x2d: {  	s3 =	simm.s32 $0x108;
	s8 =	sld [smem:$0x3FB6]  }
0x2e: {  	s3 =	simm.s32 @!p0 $0x1082;
	s9 =	sld [smem:$0x3FB7]  }
0x2f: {  	lr =	sadd.s32 s0, s3;
	s0 =	sld [smem:$0x3FAE]  }
0x30: {  	s3 =	sld [smem:$0x3FB1]  }
0x31: {  	[smem:$0x3FBA] =	sst s10  }
0x32: {  	s10 =	sld [smem:$0x3FB8];
	_ =	sdelay $0x3  }
0x33: {  	p0 =	seq.s32 s10, $0x1;
	s10 =	sld [smem:$0x3FBA];
	_ =	sdelay $0x3  }
0x34: {  	[smem:$0x3FBA] =	sst s10  }
0x35: {  	s10 =	sld [smem:$0x3FB9];
	_ =	sdelay $0x3  }
0x36: {  	p1 =	seq.s32 s10, $0x1;
	s10 =	sld [smem:$0x3FBA];
	_ =	sdelay $0x3  }
0x37: {  	[smem:$0x3FBA] =	sst s10  }
0x38: {  	s10 =	sld [smem:$0x3FBB]  }
0x39: {  	_ = 	snop;
	(pc) =	sbr.ind lr, $3  }
0x3a: {  	_ = 	snop  }
0x3b: {  	_ = 	snop  }
0x3c: {  	p2 =	seq.s32 s10, $0x1;
	s10 =	sld [smem:$0x3FBA]  }
0x3d: {  	_ =	shalt  }
0x3e: {  	_ =	shalt  }
0x3f: {  	_ =	shalt  }
0x40: {  	_ =	shalt  }
0x41: {  	_ =	shalt  }
0x42: {  	_ =	shalt  }
0x43: {  	_ =	shalt  }
0x44: {  	_ =	shalt  }
0x45: {  	_ =	shalt  }
0x46: {  	_ =	shalt  }
0x47: {  	_ =	shalt  }
0x48: {  	_ =	shalt  }
0x49: {  	_ =	shalt  }
0x4a: {  	_ =	shalt  }
0x4b: {  	_ =	shalt  }
0x4c: {  	_ =	shalt  }
0x4d: {  	_ =	shalt  }
0x4e: {  	_ =	shalt  }
0x4f: {  	_ =	shalt  }
0x50: {  	_ =	shalt  }
0x51: {  	_ =	shalt  }
0x52: {  	_ =	shalt  }
0x53: {  	_ =	shalt  }
0x54: {  	_ =	shalt  }
0x55: {  	_ =	shalt  }
0x56: {  	_ =	shalt  }
0x57: {  	_ =	shalt  }
0x58: {  	_ =	shalt  }
0x59: {  	_ =	shalt  }
0x5a: {  	_ =	shalt  }
0x5b: {  	_ =	shalt  }
0x5c: {  	_ =	shalt  }
0x5d: {  	_ =	shalt  }
0x5e: {  	_ =	shalt  }
0x5f: {  	_ =	shalt  }
0x60: {  	_ =	shalt  }
0x61: {  	_ =	shalt  }
0x62: {  	_ =	shalt  }
0x63: {  	_ =	shalt  }
0x64: {  	_ =	shalt  }
0x65: {  	_ =	shalt  }
0x66: {  	_ =	shalt  }
0x67: {  	_ =	shalt  }
0x68: {  	_ =	shalt  }
0x69: {  	_ =	shalt  }
0x6a: {  	_ =	shalt  }
0x6b: {  	_ =	shalt  }
0x6c: {  	_ =	shalt  }
0x6d: {  	_ =	shalt  }
0x6e: {  	_ =	shalt  }
0x6f: {  	_ =	shalt  }
0x70: {  	_ =	shalt  }
0x71: {  	_ =	shalt  }
0x72: {  	_ =	shalt  }
0x73: {  	_ =	shalt  }
0x74: {  	_ =	shalt  }
0x75: {  	_ =	shalt  }
0x76: {  	_ =	shalt  }
0x77: {  	_ =	shalt  }
0x78: {  	_ =	shalt  }
0x79: {  	_ =	shalt  }
0x7a: {  	_ =	shalt  }
0x7b: {  	_ =	shalt  }
0x7c: {  	_ =	shalt  }
0x7d: {  	_ =	shalt  }
0x7e: {  	_ =	shalt  }
0x7f: {  	_ =	shalt  }
0x80: {  	_ =	shalt  }
0x81: {  	_ =	shalt  }
0x82: {  	_ =	shalt  }
0x83: {  	_ =	shalt  }
0x84: {  	_ =	shalt  }
0x85: {  	_ =	shalt  }
0x86: {  	_ =	shalt  }
0x87: {  	_ =	shalt  }
.Lfunc_end0:
.L_simem_size_0:
called_computation_lowered:
.L_overlay_start_0:
0x88: {  	s2 =	sld [smem:$0x3FD9]  }
0x89: {  	s3 =	sld [smem:$0x3FFE];
	_ =	sdelay $0x1  }
0x8a: {  	s1 =	srdreg.scid  }
0x8b: {  	s0 =	sand.u32 $0x1, s1  }
0x8c: {  	s17 =	sshll.u32 s0, $0xA;
	s2 =	sadd.s32 s3, s2  }
0x8d: {  	s2 =	sadd.s32 s2, s17  }
0x8e: {  	[smem:$0x3FC6] =	sst s2  }
0x8f: {  	_ = 	snop  }
0x90: {  	s2 =	sld [smem:$0x3FD0];
	(tm) =	ssettm $0x1  }
0x91: {  	s18 =	sld [smem:$0x3FFB];
	_ =	sdelay $0x3  }
0x92: {  	_ =	strace s18  }
0x93: {  	s3 =	sld [smem:$0x3FFC];
	_ =	sdelay $0x3  }
0x94: {  	_ =	strace s3  }
0x95: {  	s3 =	sld [smem:$0x3FFD];
	_ =	sdelay $0x3  }
0x96: {  	_ =	strace s3  }
0x97: {  	_ =	strace $0x8FFFFFFF  }
0x98: {  	s19 =	sld [smem:$0x3FDB];
	_ =	sdelay $0x1  }
0x99: {  	s4 =	simm.s32 $_scs_section_size  }
0x9a: {  	s5 =	simm.s32 $_size__tile_overlayer_lowered;
	s6 =	simm.s32 $_tile_overlayer_lowered  }
0x9b: {  	s22 =	simm.s32 $0x1BFF;
	s21 =	sshll.u32 s6, $0x1;
	s3 =	sadd.s32 s4, s19  }
0x9c: {  	s7 =	simm.s32 $0x0;
	s20 =	sshll.u32 s5, $0x1;
	s5 =	sadd.s32 s21, s3  }
0x9d: {  	[timem:s7], [sflag:s22] =	dma.local [hbm:s5], s20  }
0x9e: {  	_ =	swait.ge [sflag:s22], s20  }
0x9f: {  	s4 =	ssub.s32 $0x0, s20;
	[sflag:s22] =	ssyncset.done $0x0  }
0xa0: {  	[sflag:s22] =	ssyncadd.s32 s4;
	_ =	sdelay $0x1  }
0xa1: {  	s23 =	simm.s32 $0x1B8B  }
0xa2: {  	_ =	swait.ge [sflag:s23], $0x1  }
0xa3: {  	[sflag:s23] =	ssyncset.done $0x0  }
0xa4: {  	s25 =	simm.s32 $0x1B8E;
	s24 =	sld [smem:$0x3FFE];
	[sflag:s23] =	ssyncadd.s32 $0xFFFFFFFF  }
0xa5: {  	s26 =	simm.s32 $execute0_lowered;
	[smem:$0x3FD2] =	sst s25  }
0xa6: {  	s5 =	sshll.u32 s26, $0x1;
	_ =	strace $0x80000046;
	[dreg:$0x1] =	wrdreg $0xFFFFFFFF  }
0xa7: {  	s28 =	simm.s32 $_size_execute0_lowered;
	s3 =	sadd.s32 s3, s5;
	[dreg:$0x0] =	wrdreg $0x0  }
0xa8: {  	s5 =	sshll.u32 s28, $0x1;
	[dreg:$0x2] =	wrdreg s3  }
0xa9: {  	[dreg:$0x3] =	wrdreg s5  }
0xaa: {  	[dreg:$0x4] =	wrdreg $0xC0  }
0xab: {  	_ =	task [dreg:s7], $0x5FFFF  }
0xac: {  	[dreg:$0x1] =	wrdreg $0xFFFFFFFF  }
0xad: {  	[dreg:$0x0] =	wrdreg $0x60  }
0xae: {  	[dreg:$0x2] =	wrdreg s24  }
0xaf: {  	[dreg:$0x3] =	wrdreg s2  }
0xb0: {  	[dreg:$0x4] =	wrdreg $0x9  }
0xb1: {  	_ =	task.clear_ibuf [dreg:s7], $0x5FFFF;
	_ =	strace $0x90000046  }
0xb2: {  	s29 =	simm.s32 $0x9;
	_ =	strace $0x80000048  }
0xb3: {  	_ =	swait.ge [sflag:s29], $0x1  }
0xb4: {  	[sflag:s29] =	ssyncadd.s32 $0xFFFFFFFF  }
0xb5: {  	_ =	strace $0x90000048  }
0xb6: {  	_ =	sfence  }
0xb7: {  	s30 =	sld [smem:$0x0];
	_ =	sdelay $0x2  }
0xb8: {  	s31 =	sshll.u32 s1, $0xD;
	s1 =	sshrl.u32 s1, $0x2  }
0xb9: {  	s3 =	sand.u32 $0x4000, s31;
	s1 =	sadd.s32 s1, s30  }
0xba: {  	s0 =	sor.u32 s3, s0;
	s1 =	sshll.u32 s1, $0x11  }
0xbb: {  	s0 =	sor.u32 s1, s0  }
0xbc: {  	s0 =	sadd.s32 $0x8F2B, s0  }
0xbd: {  	[sflag:s0] =	ssyncadd.remote.s32 $0x1  }
0xbe: {  	_ =	sfence.sel $0xFFFF  }
0xbf: {  	[dreg:$0x0] =	wrdreg $0xFFFFFFFF;
	(pc) =	sbr.abs _section_cstart, $3  }
0xc0: {  	[dreg:$0x1] =	wrdreg $0xFFFFFFFF  }
0xc1: {  	_ =	task.clear_ibuf [dreg:s7], $0x2FFFF;
	_ =	strace $0x9FFFFFFF  }
0xc2: {  	(tm) =	ssettm $0x7FFFFFFF  }
0xc3: {  	_ =	shalt  }
tec
execute0_lowered:
.L_overlay_start_1:
0x0: {  	(tag) =	ssettag $0x1  }
0x1: {  	s0 =	rddreg [dreg:$0x0];
	s1 =	srdreg.scid  }
0x2: {  	s3 =	stileid.u32;
	s2 =	rddreg [dreg:$0x1];
	s10 =	simm.s32 $0x7  }
0x3: {  	s11 =	simm.s32 $0x100;
	s13 =	simm.s32 $0xC800;
	s14 =	simm.s32 $0x10800  }
0x4: {  	s15 =	simm.s32 $0x1;
	s16 =	simm.s32 $0x14800;
	s17 =	simm.s32 $0x16A00  }
0x5: {  	s18 =	simm.s32 $0x2;
	s19 =	simm.s32 $0x5;
	s20 =	simm.s32 $0x18C00  }
0x6: {  	s21 =	simm.s32 $0x1AE00;
	s22 =	simm.s32 $0x3;
	s23 =	simm.s32 $0x4  }
0x7: {  	v5 =	vlaneseq.u32;
	s24 =	simm.s32 $0x6;
	s1 =	sand.u32 $0x1, s1;
	s4 =	sshll.u32 s3, $0x1  }
0x8: {  	s25 =	simm.s32 $0x0;
	v0 =	vmul.u32 $0xC8, v5;
	s5 =	sor.u32 s1, s4;
	s1 =	ssub.s32 $0x2, s1  }
0x9: {  	s3 =	simm.s32 $0x0;
	s4 =	smul.u32 $0xC80, s5;
	s6 =	sshrl.u32 s1, $0x1  }
0xa: {  	s8 =	sadd.s32 $0x18000, s2;
	v5 =	vmul.u32 $0x88, v5;
	[smem:$0x7FF] =	sst s3;
	v1 =	vadd.s32 $0xC80, v0;
	s30 =	ssub.s32 s1, s6  }
0xb: {  	v2 =	vadd.s32 $0x1900, v0;
	v3 =	vadd.s32 $0x2580, v0;
	v4 =	vadd.s32 $0x3200, v0;
	s7 =	sadd.s32 s4, s0;
	s4 =	sadd.s32 $0x19400, s0;
	s0 =	smax.u32 s30, $0x1  }
0xc: {  	_ =	strace $0x80000047;
	v6 =	vadd.s32 $0x3E80, v0;
	v7 =	vadd.s32 $0x4B00, v0;
	v8 =	vadd.s32 $0x5780, v0;
	s31 =	sadd.s32 $0x400, s7;
	[dreg:$0x4] =	wrdreg s0  }
0xd: {  	v9 =	vadd.s32 $0x880, v5;
	v10 =	vadd.s32 $0x1100, v5;
	v11 =	vadd.s32 $0x1980, v5;
	s6 =	sshll.u32 s5, $0xA;
	s7 =	sadd.s32 $0x8000, s2;
	[dreg:$0x3] =	wrdreg s31  }
.LBB2_1:
0xe: {  	v12 =	vmov s3  }
0xf: {  	v12 =	vand.u32 $0xFF, v12  }
0x10: {  	s0 =	rddreg [dreg:$0x3];
	v13 =	vadd.s32 v0, v12  }
0x11: {  	[tilespmem:s3], [sflag:$0x7] =	stream.linear.gather [hbm4b:s0+s3], $0x6400, $0x38;
	[tilespmem:$0x1D000] =	vst v63  }
0x12: {  	_ =	swait.ge [sflag:s10], $0x6400  }
0x13: {  	[sflag:s10] =	ssyncset.done $0x0  }
0x14: {  	[sflag:s10] =	ssyncadd.s32 $0xFFFF9C00  }
0x15: {  	v13 =	vld.idx.msk [tilespmem:v13+s3+$0x0], $0xffff  }
0x16: {  	v14 =	vadd.s32 v1, v12;
	_ =	sdelay $0x2  }
0x17: {  	s26 =	simm.s32 $0x6440  }
0x18: {  	[tilespmem:s26+$0xFFFFFFC0] =	vst v13  }
0x19: {  	v13 =	vld.idx.msk [tilespmem:v14+s3+$0x0], $0xffff  }
0x1a: {  	v14 =	vadd.s32 v2, v12;
	_ =	sdelay $0x3  }
0x1b: {  	[tilespmem:s26+$0xFFFFFFD0] =	vst v13  }
0x1c: {  	v13 =	vld.idx.msk [tilespmem:v14+s3+$0x0], $0xffff  }
0x1d: {  	v14 =	vadd.s32 v3, v12;
	_ =	sdelay $0x3  }
0x1e: {  	[tilespmem:s26+$0xFFFFFFE0] =	vst v13  }
0x1f: {  	v13 =	vld.idx.msk [tilespmem:v14+s3+$0x0], $0xffff  }
0x20: {  	v14 =	vadd.s32 v4, v12;
	_ =	sdelay $0x3  }
0x21: {  	[tilespmem:s26+$0xFFFFFFF0] =	vst v13  }
0x22: {  	v13 =	vld.idx.msk [tilespmem:v14+s3+$0x0], $0xffff  }
0x23: {  	v14 =	vadd.s32 v6, v12;
	_ =	sdelay $0x3  }
0x24: {  	[tilespmem:s26+$0x0] =	vst v13  }
0x25: {  	v13 =	vld.idx.msk [tilespmem:v14+s3+$0x0], $0xffff  }
0x26: {  	v14 =	vadd.s32 v7, v12;
	_ =	sdelay $0x3  }
0x27: {  	[tilespmem:s26+$0x10] =	vst v13  }
0x28: {  	v13 =	vld.idx.msk [tilespmem:v14+s3+$0x0], $0xffff  }
0x29: {  	v12 =	vadd.s32 v8, v12;
	_ =	sdelay $0x3  }
0x2a: {  	s31 =	simm.s32 $0x1;
	[tilespmem:s26+$0x20] =	vst v13  }
0x2b: {  	s1 =	simm.s32 $0x2;
	v13 =	vmov s31;
	v12 =	vld.idx.msk [tilespmem:v12+s3+$0x0], $0xffff  }
.LBB2_2:
0x2c: {  	p0 =	sne.s32 s1, $0xC7;
	v13 =	vand.u32 $0xFF, v13  }
0x2d: {  	v14 =	vadd.s32 v0, v13;
	_ =	sdelay $0x3  }
0x2e: {  	[tilespmem:s26+$0x30] =	vst v12  }
0x2f: {  	v12 =	vld.idx.msk [tilespmem:v14+s3+$0x0], $0xffff;
	_ =	sdelay $0x1  }
0x30: {  	v14 =	vadd.s32 v1, v13;
	_ =	sdelay $0x2  }
0x31: {  	s26 =	sadd.s32 $0x80, s26  }
0x32: {  	[tilespmem:s26+$0xFFFFFFC0] =	vst v12  }
0x33: {  	v12 =	vld.idx.msk [tilespmem:v14+s3+$0x0], $0xffff;
	_ =	sdelay $0x1  }
0x34: {  	v14 =	vadd.s32 v2, v13;
	_ =	sdelay $0x3  }
0x35: {  	[tilespmem:s26+$0xFFFFFFD0] =	vst v12  }
0x36: {  	v12 =	vld.idx.msk [tilespmem:v14+s3+$0x0], $0xffff;
	_ =	sdelay $0x1  }
0x37: {  	v14 =	vadd.s32 v3, v13;
	_ =	sdelay $0x3  }
0x38: {  	[tilespmem:s26+$0xFFFFFFE0] =	vst v12  }
0x39: {  	v12 =	vld.idx.msk [tilespmem:v14+s3+$0x0], $0xffff;
	_ =	sdelay $0x1  }
0x3a: {  	v14 =	vadd.s32 v4, v13;
	_ =	sdelay $0x3  }
0x3b: {  	[tilespmem:s26+$0xFFFFFFF0] =	vst v12  }
0x3c: {  	v12 =	vld.idx.msk [tilespmem:v14+s3+$0x0], $0xffff;
	_ =	sdelay $0x1  }
0x3d: {  	v14 =	vadd.s32 v6, v13;
	_ =	sdelay $0x3  }
0x3e: {  	[tilespmem:s26+$0x0] =	vst v12  }
0x3f: {  	v12 =	vld.idx.msk [tilespmem:v14+s3+$0x0], $0xffff;
	_ =	sdelay $0x1  }
0x40: {  	v14 =	vadd.s32 v7, v13;
	_ =	sdelay $0x3  }
0x41: {  	[tilespmem:s26+$0x10] =	vst v12  }
0x42: {  	v12 =	vld.idx.msk [tilespmem:v14+s3+$0x0], $0xffff;
	_ =	sdelay $0x1  }
0x43: {  	v14 =	vadd.s32 v8, v13  }
.Ltmp0:
0x44: {  	(pc) =	sbr.rel @p0 .LBB2_2-.Ltmp0, $3  }
0x45: {  	_ =	sdelay $0x1  }
0x46: {  	[tilespmem:s26+$0x20] =	vst v12  }
0x47: {  	v13 =	vmov s1;
	s1 =	sadd.s32 $0x1, s1;
	v12 =	vld.idx.msk [tilespmem:v14+s3+$0x0], $0xffff  }
0x48: {  	v13 =	vand.u32 $0xFF, v13  }
0x49: {  	v14 =	vadd.s32 v0, v13;
	_ =	sdelay $0x3  }
0x4a: {  	[tilespmem:s26+$0x30] =	vst v12  }
0x4b: {  	v12 =	vld.idx.msk [tilespmem:v14+s3+$0x0], $0xffff  }
0x4c: {  	v58 =	vadd.s32 v1, v13;
	_ =	sdelay $0x2  }
0x4d: {  	s0 =	sadd.s32 $0x80, s26  }
0x4e: {  	[tilespmem:s0+$0xFFFFFFC0] =	vst v12  }
0x4f: {  	v12 =	vld.idx.msk [tilespmem:v58+s3+$0x0], $0xffff  }
0x50: {  	v59 =	vadd.s32 v2, v13;
	_ =	sdelay $0x3  }
0x51: {  	[tilespmem:s0+$0xFFFFFFD0] =	vst v12  }
0x52: {  	v12 =	vld.idx.msk [tilespmem:v59+s3+$0x0], $0xffff  }
0x53: {  	v60 =	vadd.s32 v3, v13;
	_ =	sdelay $0x3  }
0x54: {  	[tilespmem:s0+$0xFFFFFFE0] =	vst v12  }
0x55: {  	v12 =	vld.idx.msk [tilespmem:v60+s3+$0x0], $0xffff  }
0x56: {  	v61 =	vadd.s32 v4, v13;
	_ =	sdelay $0x3  }
0x57: {  	[tilespmem:s0+$0xFFFFFFF0] =	vst v12  }
0x58: {  	v12 =	vld.idx.msk [tilespmem:v61+s3+$0x0], $0xffff  }
0x59: {  	v62 =	vadd.s32 v6, v13;
	_ =	sdelay $0x3  }
0x5a: {  	[tilespmem:s0+$0x0] =	vst v12  }
0x5b: {  	v12 =	vld.idx.msk [tilespmem:v62+s3+$0x0], $0xffff  }
0x5c: {  	v63 =	vadd.s32 v7, v13;
	_ =	sdelay $0x3  }
0x5d: {  	[tilespmem:s0+$0x10] =	vst v12  }
0x5e: {  	v12 =	vld.idx.msk [tilespmem:v63+s3+$0x0], $0xffff  }
0x5f: {  	v13 =	vadd.s32 v8, v13;
	_ =	sdelay $0x3  }
0x60: {  	[tilespmem:s0+$0x20] =	vst v12  }
0x61: {  	v12 =	vld.idx.msk [tilespmem:v13+s3+$0x0], $0xffff;
	_ =	sdelay $0x4  }
0x62: {  	s31 =	simm.s32 $0x6400;
	s28 =	simm.s32 $0x0;
	s26 =	simm.s32 $0x0;
	[tilespmem:s0+$0x30] =	vst v12  }
0x63: {  	[tilespmem:s13], [sflag:$0x1] =	stream.indirect.gather [hbm4b:s4+s11], $0x40, s31, s11, $0xb8;
	[tilespmem:$0x1D000] =	vst v63  }
.LBB2_4:
0x64: {  	s0 =	sshll.u32 s28, $0x2  }
0x65: {  	s30 =	sor.u32 $0x2, s0  }
0x66: {  	s0 =	sshll.u32 s30, $0x7  }
0x67: {  	s0 =	sand.u32 $0x3FFFFF00, s0  }
0x68: {  	s0 =	sadd.s32 $0x6400, s0  }
0x69: {  	[tilespmem:s14], [sflag:$0x2] =	stream.indirect.gather [hbm4b:s4+s11], $0x40, s0, s11, $0xb8;
	[tilespmem:$0x1D000] =	vst v63  }
0x6a: {  	_ =	swait.ge [sflag:s15], $0x4000  }
0x6b: {  	p0 =	seq.s32 s28, $0x0;
	[sflag:s15] =	ssyncset.done $0x0  }
0x6c: {  	s0 =	simm.s32 @!p0 $0x3;
	[sflag:s15] =	ssyncadd.s32 $0xFFFFC000  }
0x6d: {  	_ =	swait.ge @!p0 [sflag:s0], $0x2000  }
0x6e: {  	[sflag:s0] =	ssyncset.done @!p0 $0x0  }
0x6f: {  	s29 =	simm.s32 $0xC880;
	[sflag:s0] =	ssyncadd.s32 @!p0 $0xFFFFE000  }
0x70: {  	v12 =	vld [tilespmem:s29+$0x70]  }
0x71: {  	v14 =	vld [tilespmem:s29+$0x60]  }
0x72: {  	v13 =	vld [tilespmem:s29+$0x50]  }
0x73: {  	v15 =	vld [tilespmem:s29+$0x40]  }
0x74: {  	v16 =	vld [tilespmem:s29+$0x30]  }
0x75: {  	v17 =	vld [tilespmem:s29+$0x20]  }
0x76: {  	v18 =	vld [tilespmem:s29+$0x10]  }
0x77: {  	v19 =	vld [tilespmem:s29+$0x0]  }
0x78: {  	v22 =	vmov s26;
	v20 =	vld [tilespmem:s29+$0xFFFFFFF0]  }
0x79: {  	v22 =	vand.u32 $0x7C, v22;
	v21 =	vld [tilespmem:s29+$0xFFFFFFE0]  }
0x7a: {  	v25 =	vadd.s32 v5, v22;
	v24 =	vld [tilespmem:s29+$0xFFFFFF80]  }
0x7b: {  	s5 =	simm.s32 $0x1;
	v27 =	vadd.s32 v9, v22;
	v26 =	vld [tilespmem:s29+$0xFFFFFF90]  }
0x7c: {  	v30 =	vmov s5;
	v29 =	vadd.s32 v10, v22;
	v28 =	vld [tilespmem:s29+$0xFFFFFFA0]  }
0x7d: {  	v22 =	vadd.s32 v11, v22;
	v30 =	vand.u32 $0x7D, v30;
	v31 =	vld [tilespmem:s29+$0xFFFFFFB0]  }
0x7e: {  	v33 =	vadd.s32 v5, v30;
	v32 =	vld [tilespmem:s29+$0xFFFFFFC0]  }
0x7f: {  	s9 =	simm.s32 $0x2;
	v52 =	vadd.s32 v9, v30;
	v23 =	vld [tilespmem:s29+$0xFFFFFFD0];
	[tilespmem:v25+s16+$0x0] =	vst.idx.msk $0xffff, v24  }
0x80: {  	v54 =	vmov s9;
	v53 =	vadd.s32 v10, v30;
	[tilespmem:v27+s16+$0x0] =	vst.idx.msk $0xffff, v26  }
0x81: {  	v55 =	vadd.s32 v11, v30;
	v26 =	vand.u32 $0x7E, v54;
	[tilespmem:v29+s16+$0x0] =	vst.idx.msk $0xffff, v28  }
0x82: {  	v56 =	vadd.s32 v5, v26;
	[tilespmem:v22+s16+$0x0] =	vst.idx.msk $0xffff, v31  }
0x83: {  	s12 =	simm.s32 $0x3;
	v57 =	vadd.s32 v9, v26;
	[tilespmem:v33+s16+$0x0] =	vst.idx.msk $0xffff, v32  }
0x84: {  	v59 =	vmov s12;
	v58 =	vadd.s32 v10, v26;
	[tilespmem:v52+s16+$0x0] =	vst.idx.msk $0xffff, v23  }
0x85: {  	v24 =	vand.u32 $0x7F, v59;
	v60 =	vadd.s32 v11, v26;
	[tilespmem:v53+s16+$0x0] =	vst.idx.msk $0xffff, v21  }
0x86: {  	v61 =	vadd.s32 v5, v24;
	[tilespmem:v55+s16+$0x0] =	vst.idx.msk $0xffff, v20  }
0x87: {  	v62 =	vadd.s32 v9, v24;
	[tilespmem:v56+s16+$0x0] =	vst.idx.msk $0xffff, v19  }
0x88: {  	[tilespmem:v57+s16+$0x0] =	vst.idx.msk $0xffff, v18  }
0x89: {  	[tilespmem:v58+s16+$0x0] =	vst.idx.msk $0xffff, v17  }
0x8a: {  	v63 =	vadd.s32 v10, v24;
	[tilespmem:v60+s16+$0x0] =	vst.idx.msk $0xffff, v16  }
0x8b: {  	[tilespmem:v61+s16+$0x0] =	vst.idx.msk $0xffff, v15  }
0x8c: {  	[tilespmem:v62+s16+$0x0] =	vst.idx.msk $0xffff, v13;
	v13 =	vadd.s32 v11, v24;
	_ =	sdelay $0x2  }
0x8d: {  	s31 =	simm.s32 $0x4;
	[tilespmem:v63+s16+$0x0] =	vst.idx.msk $0xffff, v14  }
.LBB2_5:
0x8e: {  	p1 =	sne.s32 s31, $0x7C  }
0x8f: {  	[tilespmem:v13+s16+$0x0] =	vst.idx.msk $0xffff, v12;
	s29 =	sadd.s32 $0x100, s29;
	s0 =	smov.u32 s31;
	s31 =	sadd.s32 $0x4, s31  }
0x90: {  	v12 =	vld [tilespmem:s29+$0x70]  }
0x91: {  	v14 =	vld [tilespmem:s29+$0x60]  }
0x92: {  	v15 =	vld [tilespmem:s29+$0x50]  }
0x93: {  	v16 =	vld [tilespmem:s29+$0x40]  }
0x94: {  	v17 =	vld [tilespmem:s29+$0x30]  }
0x95: {  	v13 =	vld [tilespmem:s29+$0x20]  }
0x96: {  	v18 =	vld [tilespmem:s29+$0x10]  }
0x97: {  	v19 =	vld [tilespmem:s29+$0x0]  }
0x98: {  	v20 =	vld [tilespmem:s29+$0xFFFFFFF0]  }
0x99: {  	v22 =	vmov s0;
	v21 =	vld [tilespmem:s29+$0xFFFFFFE0]  }
0x9a: {  	v22 =	vand.u32 $0x7C, v22;
	v23 =	vld [tilespmem:s29+$0xFFFFFFD0]  }
0x9b: {  	v25 =	vadd.s32 v5, v22;
	v24 =	vld [tilespmem:s29+$0xFFFFFF80]  }
0x9c: {  	s1 =	sadd.s32 $0x1, s0;
	v27 =	vadd.s32 v9, v22;
	v26 =	vld [tilespmem:s29+$0xFFFFFF90]  }
0x9d: {  	v30 =	vmov s1;
	v29 =	vadd.s32 v10, v22;
	v28 =	vld [tilespmem:s29+$0xFFFFFFA0]  }
0x9e: {  	v22 =	vadd.s32 v11, v22;
	v30 =	vand.u32 $0x7D, v30;
	v31 =	vld [tilespmem:s29+$0xFFFFFFB0]  }
0x9f: {  	v33 =	vadd.s32 v5, v30;
	v32 =	vld [tilespmem:s29+$0xFFFFFFC0]  }
0xa0: {  	s1 =	sadd.s32 $0x2, s0;
	[tilespmem:v25+s16+$0x0] =	vst.idx.msk $0xffff, v24;
	v24 =	vadd.s32 v9, v30  }
0xa1: {  	v25 =	vadd.s32 v10, v30;
	[tilespmem:v27+s16+$0x0] =	vst.idx.msk $0xffff, v26;
	v26 =	vmov s1  }
0xa2: {  	v27 =	vadd.s32 v11, v30;
	[tilespmem:v29+s16+$0x0] =	vst.idx.msk $0xffff, v28;
	v26 =	vand.u32 $0x7E, v26  }
0xa3: {  	[tilespmem:v22+s16+$0x0] =	vst.idx.msk $0xffff, v31;
	v22 =	vadd.s32 v5, v26  }
0xa4: {  	s0 =	sadd.s32 $0x3, s0;
	v28 =	vadd.s32 v9, v26;
	[tilespmem:v33+s16+$0x0] =	vst.idx.msk $0xffff, v32  }
0xa5: {  	[tilespmem:v24+s16+$0x0] =	vst.idx.msk $0xffff, v23;
	v23 =	vadd.s32 v10, v26;
	v24 =	vmov s0  }
0xa6: {  	[tilespmem:v25+s16+$0x0] =	vst.idx.msk $0xffff, v21;
	v21 =	vadd.s32 v11, v26;
	v24 =	vand.u32 $0x7F, v24  }
0xa7: {  	[tilespmem:v27+s16+$0x0] =	vst.idx.msk $0xffff, v20;
	v20 =	vadd.s32 v5, v24  }
0xa8: {  	[tilespmem:v22+s16+$0x0] =	vst.idx.msk $0xffff, v19;
	v19 =	vadd.s32 v9, v24  }
0xa9: {  	[tilespmem:v28+s16+$0x0] =	vst.idx.msk $0xffff, v18;
	v18 =	vadd.s32 v10, v24  }
.Ltmp1:
0xaa: {  	[tilespmem:v23+s16+$0x0] =	vst.idx.msk $0xffff, v13;
	v13 =	vadd.s32 v11, v24;
	(pc) =	sbr.rel @p1 .LBB2_5-.Ltmp1, $4  }
0xab: {  	[tilespmem:v21+s16+$0x0] =	vst.idx.msk $0xffff, v17  }
0xac: {  	[tilespmem:v20+s16+$0x0] =	vst.idx.msk $0xffff, v16  }
0xad: {  	[tilespmem:v19+s16+$0x0] =	vst.idx.msk $0xffff, v15  }
0xae: {  	[tilespmem:v18+s16+$0x0] =	vst.idx.msk $0xffff, v14  }
0xaf: {  	_ = 	snop  }
0xb0: {  	s0 =	sshll.u32 s28, $0x14  }
0xb1: {  	s0 =	sor.u32 s6, s0  }
0xb2: {  	s29 =	sshrl.u32 s0, $0x3  }
0xb3: {  	[tilespmem:v13+s16+$0x0] =	vst.idx.msk $0xffff, v12;
	s1 =	simm.s32 $0x14800;
	s31 =	sadd.s32 s2, s29  }
0xb4: {  	[hbm4b:s31+s3] =	stream.linear.scatter [tilespmem:s1], [sflag:$0x3], $0x80, $0x38;
	[tilespmem:$0x1D000] =	vst v63  }
0xb5: {  	s5 =	simm.s32 $0x14888;
	s1 =	sadd.s32 $0x10, s31  }
0xb6: {  	[hbm4b:s1+s3] =	stream.linear.scatter [tilespmem:s5], [sflag:$0x3], $0x80, $0x38;
	[tilespmem:$0x1D000] =	vst v63  }
0xb7: {  	s9 =	simm.s32 $0x14910;
	s12 =	sadd.s32 $0x20, s31  }
0xb8: {  	[hbm4b:s12+s3] =	stream.linear.scatter [tilespmem:s9], [sflag:$0x3], $0x80, $0x38;
	[tilespmem:$0x1D000] =	vst v63  }
0xb9: {  	s1 =	simm.s32 $0x14998;
	s5 =	sadd.s32 $0x30, s31  }
0xba: {  	[hbm4b:s5+s3] =	stream.linear.scatter [tilespmem:s1], [sflag:$0x3], $0x80, $0x38;
	[tilespmem:$0x1D000] =	vst v63  }
0xbb: {  	s9 =	simm.s32 $0x14A20;
	s12 =	sadd.s32 $0x40, s31  }
0xbc: {  	[hbm4b:s12+s3] =	stream.linear.scatter [tilespmem:s9], [sflag:$0x3], $0x80, $0x38;
	[tilespmem:$0x1D000] =	vst v63  }
0xbd: {  	s0 =	simm.s32 $0x2200;
	s1 =	simm.s32 $0x14AA8;
	s5 =	sadd.s32 $0x50, s31  }
0xbe: {  	[hbm4b:s5+s3] =	stream.linear.scatter [tilespmem:s1], [sflag:$0x3], $0x80, $0x38;
	[tilespmem:$0x1D000] =	vst v63  }
0xbf: {  	s9 =	simm.s32 $0x14B30;
	s12 =	sadd.s32 $0x60, s31;
	s1 =	simm.s32 $0x440  }
0xc0: {  	[hbm4b:s12+s3] =	stream.linear.scatter [tilespmem:s9], [sflag:$0x3], $0x80, $0x38;
	[tilespmem:$0x1D000] =	vst v63  }
0xc1: {  	s5 =	sadd.s32 $0x70, s31;
	s31 =	sadd.s32 $0x1000, s31;
	s12 =	simm.s32 $0x14BB8  }
.LBB2_7:
0xc2: {  	[hbm4b:s5+s3] =	stream.linear.scatter [tilespmem:s12], [sflag:$0x3], $0x80, $0x38;
	[tilespmem:$0x1D000] =	vst v63  }
0xc3: {  	s5 =	smov.u32 s1;
	s1 =	smov.u32 s0  }
0xc4: {  	s9 =	sadd.s32 $0x1100, s0;
	s1 =	sshra.s32 s1, $0x2;
	s12 =	sadd.s32 $0x14800, s5  }
0xc5: {  	[hbm4b:s31+s3] =	stream.linear.scatter [tilespmem:s12], [sflag:$0x3], $0x80, $0x38;
	[tilespmem:$0x1D000] =	vst v63  }
0xc6: {  	p1 =	sne.s32 s0, $0x7700;
	s0 =	sadd.s32 $0x14888, s5;
	s12 =	sadd.s32 $0x10, s31  }
0xc7: {  	[hbm4b:s12+s3] =	stream.linear.scatter [tilespmem:s0], [sflag:$0x3], $0x80, $0x38;
	[tilespmem:$0x1D000] =	vst v63  }
0xc8: {  	s0 =	sadd.s32 $0x14910, s5;
	s12 =	sadd.s32 $0x20, s31  }
0xc9: {  	[hbm4b:s12+s3] =	stream.linear.scatter [tilespmem:s0], [sflag:$0x3], $0x80, $0x38;
	[tilespmem:$0x1D000] =	vst v63  }
0xca: {  	s0 =	sadd.s32 $0x14998, s5;
	s12 =	sadd.s32 $0x30, s31  }
0xcb: {  	[hbm4b:s12+s3] =	stream.linear.scatter [tilespmem:s0], [sflag:$0x3], $0x80, $0x38;
	[tilespmem:$0x1D000] =	vst v63  }
0xcc: {  	s0 =	sadd.s32 $0x14A20, s5;
	s12 =	sadd.s32 $0x40, s31  }
0xcd: {  	[hbm4b:s12+s3] =	stream.linear.scatter [tilespmem:s0], [sflag:$0x3], $0x80, $0x38;
	[tilespmem:$0x1D000] =	vst v63  }
0xce: {  	s0 =	sadd.s32 $0x14AA8, s5;
	s12 =	sadd.s32 $0x50, s31  }
0xcf: {  	[hbm4b:s12+s3] =	stream.linear.scatter [tilespmem:s0], [sflag:$0x3], $0x80, $0x38;
	[tilespmem:$0x1D000] =	vst v63  }
.Ltmp2:
0xd0: {  	_ = 	snop;
	(pc) =	sbr.rel @p1 .LBB2_7-.Ltmp2, $4  }
0xd1: {  	s0 =	sadd.s32 $0x14B30, s5;
	s12 =	sadd.s32 $0x60, s31  }
0xd2: {  	[hbm4b:s12+s3] =	stream.linear.scatter [tilespmem:s0], [sflag:$0x3], $0x80, $0x38;
	[tilespmem:$0x1D000] =	vst v63  }
0xd3: {  	s12 =	sadd.s32 $0x14BB8, s5  }
0xd4: {  	s5 =	sadd.s32 $0x70, s31;
	s31 =	sadd.s32 $0x1000, s31;
	s0 =	smov.u32 s9  }
0xd5: {  	[hbm4b:s5+s3] =	stream.linear.scatter [tilespmem:s12], [sflag:$0x3], $0x80, $0x38;
	[tilespmem:$0x1D000] =	vst v63  }
0xd6: {  	s0 =	sadd.s32 $0x14800, s1  }
0xd7: {  	[hbm4b:s31+s3] =	stream.linear.scatter [tilespmem:s0], [sflag:$0x3], $0x80, $0x38;
	[tilespmem:$0x1D000] =	vst v63  }
0xd8: {  	s9 =	sadd.s32 $0x14888, s1;
	s12 =	sadd.s32 $0x10, s31  }
0xd9: {  	[hbm4b:s12+s3] =	stream.linear.scatter [tilespmem:s9], [sflag:$0x3], $0x80, $0x38;
	[tilespmem:$0x1D000] =	vst v63  }
0xda: {  	s9 =	sadd.s32 $0x14910, s1;
	s12 =	sadd.s32 $0x20, s31  }
0xdb: {  	[hbm4b:s12+s3] =	stream.linear.scatter [tilespmem:s9], [sflag:$0x3], $0x80, $0x38;
	[tilespmem:$0x1D000] =	vst v63  }
0xdc: {  	s9 =	sadd.s32 $0x14998, s1;
	s12 =	sadd.s32 $0x30, s31  }
0xdd: {  	[hbm4b:s12+s3] =	stream.linear.scatter [tilespmem:s9], [sflag:$0x3], $0x80, $0x38;
	[tilespmem:$0x1D000] =	vst v63  }
0xde: {  	s9 =	sadd.s32 $0x14A20, s1;
	s12 =	sadd.s32 $0x40, s31  }
0xdf: {  	[hbm4b:s12+s3] =	stream.linear.scatter [tilespmem:s9], [sflag:$0x3], $0x80, $0x38;
	[tilespmem:$0x1D000] =	vst v63  }
0xe0: {  	s9 =	sadd.s32 $0x14AA8, s1;
	s12 =	sadd.s32 $0x50, s31  }
0xe1: {  	[hbm4b:s12+s3] =	stream.linear.scatter [tilespmem:s9], [sflag:$0x3], $0x80, $0x38;
	[tilespmem:$0x1D000] =	vst v63  }
0xe2: {  	s9 =	sadd.s32 $0x14B30, s1;
	s12 =	sadd.s32 $0x60, s31  }
0xe3: {  	[hbm4b:s12+s3] =	stream.linear.scatter [tilespmem:s9], [sflag:$0x3], $0x80, $0x38;
	[tilespmem:$0x1D000] =	vst v63  }
0xe4: {  	s0 =	simm.s32 @!p0 $0x4;
	s9 =	sadd.s32 $0x14BB8, s1;
	s12 =	sadd.s32 $0x70, s31  }
0xe5: {  	[hbm4b:s12+s3] =	stream.linear.scatter [tilespmem:s9], [sflag:$0x3], $0x80, $0x38;
	[tilespmem:$0x1D000] =	vst v63  }
0xe6: {  	_ =	swait.ge @!p0 [sflag:s0], $0x2000  }
0xe7: {  	[sflag:s0] =	ssyncset.done @!p0 $0x0  }
0xe8: {  	s31 =	simm.s32 $0xE8F0;
	[sflag:s0] =	ssyncadd.s32 @!p0 $0xFFFFE000  }
0xe9: {  	v12 =	vld [tilespmem:s31+$0x0]  }
0xea: {  	v14 =	vld [tilespmem:s31+$0xFFFFFFF0]  }
0xeb: {  	v13 =	vld [tilespmem:s31+$0xFFFFFFE0]  }
0xec: {  	v15 =	vld [tilespmem:s31+$0xFFFFFFD0]  }
0xed: {  	v16 =	vld [tilespmem:s31+$0xFFFFFFC0]  }
0xee: {  	v17 =	vld [tilespmem:s31+$0xFFFFFFB0]  }
0xef: {  	v18 =	vld [tilespmem:s31+$0xFFFFFFA0]  }
0xf0: {  	s1 =	simm.s32 $0x0;
	v19 =	vld [tilespmem:s31+$0xFFFFFF90]  }
0xf1: {  	v22 =	vmov s1;
	v20 =	vld [tilespmem:s31+$0xFFFFFF80]  }
0xf2: {  	v22 =	vand.u32 $0x7C, v22;
	v21 =	vld [tilespmem:s31+$0xFFFFFF70]  }
0xf3: {  	v25 =	vadd.s32 v5, v22;
	v24 =	vld [tilespmem:s31+$0xFFFFFF10]  }
0xf4: {  	s5 =	simm.s32 $0x1;
	v27 =	vadd.s32 v9, v22;
	v26 =	vld [tilespmem:s31+$0xFFFFFF20]  }
0xf5: {  	v30 =	vmov s5;
	v29 =	vadd.s32 v10, v22;
	v28 =	vld [tilespmem:s31+$0xFFFFFF30]  }
0xf6: {  	v30 =	vand.u32 $0x7D, v30;
	v22 =	vadd.s32 v11, v22;
	v31 =	vld [tilespmem:s31+$0xFFFFFF40]  }
0xf7: {  	v33 =	vadd.s32 v5, v30;
	v32 =	vld [tilespmem:s31+$0xFFFFFF50]  }
0xf8: {  	v52 =	vadd.s32 v9, v30;
	s9 =	simm.s32 $0x2;
	v23 =	vld [tilespmem:s31+$0xFFFFFF60];
	[tilespmem:v25+s17+$0x0] =	vst.idx.msk $0xffff, v24  }
0xf9: {  	v53 =	vadd.s32 v10, v30;
	v54 =	vmov s9;
	[tilespmem:v27+s17+$0x0] =	vst.idx.msk $0xffff, v26  }
0xfa: {  	v55 =	vadd.s32 v11, v30;
	v26 =	vand.u32 $0x7E, v54;
	[tilespmem:v29+s17+$0x0] =	vst.idx.msk $0xffff, v28  }
0xfb: {  	v56 =	vadd.s32 v5, v26;
	[tilespmem:v22+s17+$0x0] =	vst.idx.msk $0xffff, v31  }
0xfc: {  	s12 =	simm.s32 $0x3;
	v57 =	vadd.s32 v9, v26;
	[tilespmem:v33+s17+$0x0] =	vst.idx.msk $0xffff, v32  }
0xfd: {  	v59 =	vmov s12;
	v58 =	vadd.s32 v10, v26;
	[tilespmem:v52+s17+$0x0] =	vst.idx.msk $0xffff, v23  }
0xfe: {  	v24 =	vand.u32 $0x7F, v59;
	v60 =	vadd.s32 v11, v26;
	[tilespmem:v53+s17+$0x0] =	vst.idx.msk $0xffff, v21  }
0xff: {  	v61 =	vadd.s32 v5, v24;
	[tilespmem:v55+s17+$0x0] =	vst.idx.msk $0xffff, v20  }
0x100: {  	v62 =	vadd.s32 v9, v24;
	[tilespmem:v56+s17+$0x0] =	vst.idx.msk $0xffff, v19  }
0x101: {  	[tilespmem:v57+s17+$0x0] =	vst.idx.msk $0xffff, v18  }
0x102: {  	[tilespmem:v58+s17+$0x0] =	vst.idx.msk $0xffff, v17  }
0x103: {  	v63 =	vadd.s32 v10, v24;
	[tilespmem:v60+s17+$0x0] =	vst.idx.msk $0xffff, v16  }
0x104: {  	[tilespmem:v61+s17+$0x0] =	vst.idx.msk $0xffff, v15  }
0x105: {  	[tilespmem:v62+s17+$0x0] =	vst.idx.msk $0xffff, v13;
	v13 =	vadd.s32 v11, v24;
	_ =	sdelay $0x2  }
0x106: {  	s1 =	simm.s32 $0x4;
	[tilespmem:v63+s17+$0x0] =	vst.idx.msk $0xffff, v14  }
.LBB2_9:
0x107: {  	p1 =	sne.s32 s1, $0x7C  }
0x108: {  	[tilespmem:v13+s17+$0x0] =	vst.idx.msk $0xffff, v12;
	s31 =	sadd.s32 $0x100, s31;
	s0 =	smov.u32 s1;
	s1 =	sadd.s32 $0x4, s1  }
0x109: {  	v12 =	vld [tilespmem:s31+$0x0]  }
0x10a: {  	v14 =	vld [tilespmem:s31+$0xFFFFFFF0]  }
0x10b: {  	v15 =	vld [tilespmem:s31+$0xFFFFFFE0]  }
0x10c: {  	v16 =	vld [tilespmem:s31+$0xFFFFFFD0]  }
0x10d: {  	v17 =	vld [tilespmem:s31+$0xFFFFFFC0]  }
0x10e: {  	v13 =	vld [tilespmem:s31+$0xFFFFFFB0]  }
0x10f: {  	v18 =	vld [tilespmem:s31+$0xFFFFFFA0]  }
0x110: {  	v19 =	vld [tilespmem:s31+$0xFFFFFF90]  }
0x111: {  	v20 =	vld [tilespmem:s31+$0xFFFFFF80]  }
0x112: {  	v22 =	vmov s0;
	v21 =	vld [tilespmem:s31+$0xFFFFFF70]  }
0x113: {  	v22 =	vand.u32 $0x7C, v22;
	v23 =	vld [tilespmem:s31+$0xFFFFFF60]  }
0x114: {  	v25 =	vadd.s32 v5, v22;
	v24 =	vld [tilespmem:s31+$0xFFFFFF10]  }
0x115: {  	s5 =	sadd.s32 $0x1, s0;
	v27 =	vadd.s32 v9, v22;
	v26 =	vld [tilespmem:s31+$0xFFFFFF20]  }
0x116: {  	v30 =	vmov s5;
	v29 =	vadd.s32 v10, v22;
	v28 =	vld [tilespmem:s31+$0xFFFFFF30]  }
0x117: {  	v22 =	vadd.s32 v11, v22;
	v30 =	vand.u32 $0x7D, v30;
	v31 =	vld [tilespmem:s31+$0xFFFFFF40]  }
0x118: {  	v33 =	vadd.s32 v5, v30;
	v32 =	vld [tilespmem:s31+$0xFFFFFF50]  }
0x119: {  	s5 =	sadd.s32 $0x2, s0;
	[tilespmem:v25+s17+$0x0] =	vst.idx.msk $0xffff, v24;
	v24 =	vadd.s32 v9, v30  }
0x11a: {  	v25 =	vadd.s32 v10, v30;
	[tilespmem:v27+s17+$0x0] =	vst.idx.msk $0xffff, v26;
	v26 =	vmov s5  }
0x11b: {  	v27 =	vadd.s32 v11, v30;
	[tilespmem:v29+s17+$0x0] =	vst.idx.msk $0xffff, v28;
	v26 =	vand.u32 $0x7E, v26  }
0x11c: {  	[tilespmem:v22+s17+$0x0] =	vst.idx.msk $0xffff, v31;
	v22 =	vadd.s32 v5, v26  }
0x11d: {  	s0 =	sadd.s32 $0x3, s0;
	v28 =	vadd.s32 v9, v26;
	[tilespmem:v33+s17+$0x0] =	vst.idx.msk $0xffff, v32  }
0x11e: {  	[tilespmem:v24+s17+$0x0] =	vst.idx.msk $0xffff, v23;
	v23 =	vadd.s32 v10, v26;
	v24 =	vmov s0  }
0x11f: {  	[tilespmem:v25+s17+$0x0] =	vst.idx.msk $0xffff, v21;
	v21 =	vadd.s32 v11, v26;
	v24 =	vand.u32 $0x7F, v24  }
0x120: {  	[tilespmem:v27+s17+$0x0] =	vst.idx.msk $0xffff, v20;
	v20 =	vadd.s32 v5, v24  }
0x121: {  	[tilespmem:v22+s17+$0x0] =	vst.idx.msk $0xffff, v19;
	v19 =	vadd.s32 v9, v24  }
0x122: {  	[tilespmem:v28+s17+$0x0] =	vst.idx.msk $0xffff, v18;
	v18 =	vadd.s32 v10, v24  }
.Ltmp3:
0x123: {  	[tilespmem:v23+s17+$0x0] =	vst.idx.msk $0xffff, v13;
	v13 =	vadd.s32 v11, v24;
	(pc) =	sbr.rel @p1 .LBB2_9-.Ltmp3, $4  }
0x124: {  	[tilespmem:v21+s17+$0x0] =	vst.idx.msk $0xffff, v17  }
0x125: {  	[tilespmem:v20+s17+$0x0] =	vst.idx.msk $0xffff, v16  }
0x126: {  	[tilespmem:v19+s17+$0x0] =	vst.idx.msk $0xffff, v15  }
0x127: {  	[tilespmem:v18+s17+$0x0] =	vst.idx.msk $0xffff, v14  }
0x128: {  	_ =	sdelay $0x3  }
0x129: {  	[tilespmem:v13+s17+$0x0] =	vst.idx.msk $0xffff, v12;
	s9 =	sadd.s32 s29, s7;
	s0 =	simm.s32 $0x16A00  }
0x12a: {  	[hbm4b:s9+s3] =	stream.linear.scatter [tilespmem:s0], [sflag:$0x4], $0x80, $0x38;
	[tilespmem:$0x1D000] =	vst v63  }
0x12b: {  	s12 =	simm.s32 $0x16A88;
	s1 =	sadd.s32 $0x10, s9  }
0x12c: {  	[hbm4b:s1+s3] =	stream.linear.scatter [tilespmem:s12], [sflag:$0x4], $0x80, $0x38;
	[tilespmem:$0x1D000] =	vst v63  }
0x12d: {  	s5 =	simm.s32 $0x16B10;
	s12 =	sadd.s32 $0x20, s9  }
0x12e: {  	[hbm4b:s12+s3] =	stream.linear.scatter [tilespmem:s5], [sflag:$0x4], $0x80, $0x38;
	[tilespmem:$0x1D000] =	vst v63  }
0x12f: {  	s5 =	simm.s32 $0x16B98;
	s12 =	sadd.s32 $0x30, s9  }
0x130: {  	[hbm4b:s12+s3] =	stream.linear.scatter [tilespmem:s5], [sflag:$0x4], $0x80, $0x38;
	[tilespmem:$0x1D000] =	vst v63  }
0x131: {  	s5 =	simm.s32 $0x16C20;
	s12 =	sadd.s32 $0x40, s9  }
0x132: {  	[hbm4b:s12+s3] =	stream.linear.scatter [tilespmem:s5], [sflag:$0x4], $0x80, $0x38;
	[tilespmem:$0x1D000] =	vst v63  }
0x133: {  	s0 =	simm.s32 $0x2200;
	s5 =	simm.s32 $0x16CA8;
	s12 =	sadd.s32 $0x50, s9  }
0x134: {  	[hbm4b:s12+s3] =	stream.linear.scatter [tilespmem:s5], [sflag:$0x4], $0x80, $0x38;
	[tilespmem:$0x1D000] =	vst v63  }
0x135: {  	s31 =	sadd.s32 $0x1000, s9;
	s5 =	simm.s32 $0x16D30;
	s12 =	sadd.s32 $0x60, s9  }
0x136: {  	[hbm4b:s12+s3] =	stream.linear.scatter [tilespmem:s5], [sflag:$0x4], $0x80, $0x38;
	[tilespmem:$0x1D000] =	vst v63  }
0x137: {  	s1 =	simm.s32 $0x440;
	s12 =	simm.s32 $0x16DB8;
	s5 =	sadd.s32 $0x70, s9  }
.LBB2_11:
0x138: {  	[hbm4b:s5+s3] =	stream.linear.scatter [tilespmem:s12], [sflag:$0x4], $0x80, $0x38;
	[tilespmem:$0x1D000] =	vst v63  }
0x139: {  	s5 =	smov.u32 s1;
	s1 =	smov.u32 s0  }
0x13a: {  	s9 =	sadd.s32 $0x1100, s0;
	s1 =	sshra.s32 s1, $0x2;
	s12 =	sadd.s32 $0x16A00, s5  }
0x13b: {  	[hbm4b:s31+s3] =	stream.linear.scatter [tilespmem:s12], [sflag:$0x4], $0x80, $0x38;
	[tilespmem:$0x1D000] =	vst v63  }
0x13c: {  	p1 =	sne.s32 s0, $0x7700;
	s0 =	sadd.s32 $0x16A88, s5;
	s12 =	sadd.s32 $0x10, s31  }
0x13d: {  	[hbm4b:s12+s3] =	stream.linear.scatter [tilespmem:s0], [sflag:$0x4], $0x80, $0x38;
	[tilespmem:$0x1D000] =	vst v63  }
0x13e: {  	s0 =	sadd.s32 $0x16B10, s5;
	s12 =	sadd.s32 $0x20, s31  }
0x13f: {  	[hbm4b:s12+s3] =	stream.linear.scatter [tilespmem:s0], [sflag:$0x4], $0x80, $0x38;
	[tilespmem:$0x1D000] =	vst v63  }
0x140: {  	s0 =	sadd.s32 $0x16B98, s5;
	s12 =	sadd.s32 $0x30, s31  }
0x141: {  	[hbm4b:s12+s3] =	stream.linear.scatter [tilespmem:s0], [sflag:$0x4], $0x80, $0x38;
	[tilespmem:$0x1D000] =	vst v63  }
0x142: {  	s0 =	sadd.s32 $0x16C20, s5;
	s12 =	sadd.s32 $0x40, s31  }
0x143: {  	[hbm4b:s12+s3] =	stream.linear.scatter [tilespmem:s0], [sflag:$0x4], $0x80, $0x38;
	[tilespmem:$0x1D000] =	vst v63  }
0x144: {  	s0 =	sadd.s32 $0x16CA8, s5;
	s12 =	sadd.s32 $0x50, s31  }
0x145: {  	[hbm4b:s12+s3] =	stream.linear.scatter [tilespmem:s0], [sflag:$0x4], $0x80, $0x38;
	[tilespmem:$0x1D000] =	vst v63  }
.Ltmp4:
0x146: {  	_ = 	snop;
	(pc) =	sbr.rel @p1 .LBB2_11-.Ltmp4, $4  }
0x147: {  	s0 =	sadd.s32 $0x16D30, s5;
	s12 =	sadd.s32 $0x60, s31  }
0x148: {  	[hbm4b:s12+s3] =	stream.linear.scatter [tilespmem:s0], [sflag:$0x4], $0x80, $0x38;
	[tilespmem:$0x1D000] =	vst v63  }
0x149: {  	s12 =	sadd.s32 $0x16DB8, s5  }
0x14a: {  	s5 =	sadd.s32 $0x70, s31;
	s31 =	sadd.s32 $0x1000, s31;
	s0 =	smov.u32 s9  }
0x14b: {  	[hbm4b:s5+s3] =	stream.linear.scatter [tilespmem:s12], [sflag:$0x4], $0x80, $0x38;
	[tilespmem:$0x1D000] =	vst v63  }
0x14c: {  	s0 =	sadd.s32 $0x16A00, s1  }
0x14d: {  	[hbm4b:s31+s3] =	stream.linear.scatter [tilespmem:s0], [sflag:$0x4], $0x80, $0x38;
	[tilespmem:$0x1D000] =	vst v63  }
0x14e: {  	s9 =	sadd.s32 $0x16A88, s1;
	s12 =	sadd.s32 $0x10, s31  }
0x14f: {  	[hbm4b:s12+s3] =	stream.linear.scatter [tilespmem:s9], [sflag:$0x4], $0x80, $0x38;
	[tilespmem:$0x1D000] =	vst v63  }
0x150: {  	s9 =	sadd.s32 $0x16B10, s1;
	s12 =	sadd.s32 $0x20, s31  }
0x151: {  	[hbm4b:s12+s3] =	stream.linear.scatter [tilespmem:s9], [sflag:$0x4], $0x80, $0x38;
	[tilespmem:$0x1D000] =	vst v63  }
0x152: {  	s9 =	sadd.s32 $0x16B98, s1;
	s12 =	sadd.s32 $0x30, s31  }
0x153: {  	[hbm4b:s12+s3] =	stream.linear.scatter [tilespmem:s9], [sflag:$0x4], $0x80, $0x38;
	[tilespmem:$0x1D000] =	vst v63  }
0x154: {  	s9 =	sadd.s32 $0x16C20, s1;
	s12 =	sadd.s32 $0x40, s31  }
0x155: {  	[hbm4b:s12+s3] =	stream.linear.scatter [tilespmem:s9], [sflag:$0x4], $0x80, $0x38;
	[tilespmem:$0x1D000] =	vst v63  }
0x156: {  	p1 =	sne.s32 s28, $0x31;
	s9 =	sadd.s32 $0x16CA8, s1;
	s12 =	sadd.s32 $0x50, s31  }
0x157: {  	[hbm4b:s12+s3] =	stream.linear.scatter [tilespmem:s9], [sflag:$0x4], $0x80, $0x38;
	[tilespmem:$0x1D000] =	vst v63  }
.Ltmp5:
0x158: {  	_ = 	snop;
	(pc) =	sbr.rel @p1 .LBB2_14-.Ltmp5, $4  }
0x159: {  	s5 =	sadd.s32 $0x16D30, s1;
	s9 =	sadd.s32 $0x60, s31  }
0x15a: {  	[hbm4b:s9+s3] =	stream.linear.scatter [tilespmem:s5], [sflag:$0x4], $0x80, $0x38;
	[tilespmem:$0x1D000] =	vst v63  }
0x15b: {  	s12 =	sadd.s32 $0x16DB8, s1;
	s31 =	sadd.s32 $0x70, s31  }
0x15c: {  	[hbm4b:s31+s3] =	stream.linear.scatter [tilespmem:s12], [sflag:$0x4], $0x80, $0x38;
	[tilespmem:$0x1D000] =	vst v63  }
.Ltmp6:
0x15d: {  	(pc) =	sbr.rel .LBB2_15-.Ltmp6, $4  }
0x15e: {  	_ = 	snop  }
0x15f: {  	_ =	swait.ge [sflag:s18], $0x4000  }
0x160: {  	[sflag:s18] =	ssyncset.done $0x0  }
0x161: {  	[sflag:s18] =	ssyncadd.s32 $0xFFFFC000  }
.LBB2_14:
0x162: {  	s0 =	sshll.u32 s28, $0x9  }
0x163: {  	s0 =	sand.u32 $0x3FFFFE00, s0  }
.Ltmp7:
0x164: {  	s0 =	sadd.s32 $0x6600, s0;
	(pc) =	sbr.rel @p0 .LBB2_16-.Ltmp7, $4  }
0x165: {  	[tilespmem:s13], [sflag:$0x1] =	stream.indirect.gather [hbm4b:s4+s11], $0x40, s0, s11, $0xb8;
	[tilespmem:$0x1D000] =	vst v63  }
0x166: {  	_ =	swait.ge [sflag:s18], $0x4000  }
0x167: {  	[sflag:s18] =	ssyncset.done $0x0  }
0x168: {  	[sflag:s18] =	ssyncadd.s32 $0xFFFFC000  }
.LBB2_15:
0x169: {  	_ =	swait.ge [sflag:s19], $0x2000  }
0x16a: {  	[sflag:s19] =	ssyncset.done $0x0  }
0x16b: {  	[sflag:s19] =	ssyncadd.s32 $0xFFFFE000  }
.LBB2_16:
0x16c: {  	s31 =	simm.s32 $0x10880  }
0x16d: {  	v12 =	vld [tilespmem:s31+$0x70]  }
0x16e: {  	v14 =	vld [tilespmem:s31+$0x60]  }
0x16f: {  	v13 =	vld [tilespmem:s31+$0x50]  }
0x170: {  	v15 =	vld [tilespmem:s31+$0x40]  }
0x171: {  	v16 =	vld [tilespmem:s31+$0x30]  }
0x172: {  	v17 =	vld [tilespmem:s31+$0x20]  }
0x173: {  	v18 =	vld [tilespmem:s31+$0x10]  }
0x174: {  	s0 =	simm.s32 $0x0;
	v19 =	vld [tilespmem:s31+$0x0]  }
0x175: {  	v20 =	vld [tilespmem:s31+$0xFFFFFFF0];
	v22 =	vmov s0  }
0x176: {  	v21 =	vld [tilespmem:s31+$0xFFFFFFE0];
	v22 =	vand.u32 $0x7C, v22  }
0x177: {  	v24 =	vld [tilespmem:s31+$0xFFFFFF80];
	v25 =	vadd.s32 v5, v22  }
0x178: {  	s5 =	simm.s32 $0x1;
	v26 =	vld [tilespmem:s31+$0xFFFFFF90];
	v27 =	vadd.s32 v9, v22  }
0x179: {  	v28 =	vld [tilespmem:s31+$0xFFFFFFA0];
	v30 =	vmov s5;
	v29 =	vadd.s32 v10, v22  }
0x17a: {  	v31 =	vld [tilespmem:s31+$0xFFFFFFB0];
	v30 =	vand.u32 $0x7D, v30;
	v22 =	vadd.s32 v11, v22  }
0x17b: {  	v32 =	vld [tilespmem:s31+$0xFFFFFFC0];
	v33 =	vadd.s32 v5, v30  }
0x17c: {  	s9 =	simm.s32 $0x2;
	v23 =	vld [tilespmem:s31+$0xFFFFFFD0];
	v52 =	vadd.s32 v9, v30;
	[tilespmem:v25+s20+$0x0] =	vst.idx.msk $0xffff, v24  }
0x17d: {  	v54 =	vmov s9;
	v53 =	vadd.s32 v10, v30;
	[tilespmem:v27+s20+$0x0] =	vst.idx.msk $0xffff, v26  }
0x17e: {  	v55 =	vadd.s32 v11, v30;
	v26 =	vand.u32 $0x7E, v54;
	[tilespmem:v29+s20+$0x0] =	vst.idx.msk $0xffff, v28  }
0x17f: {  	v56 =	vadd.s32 v5, v26;
	[tilespmem:v22+s20+$0x0] =	vst.idx.msk $0xffff, v31  }
0x180: {  	s12 =	simm.s32 $0x3;
	v57 =	vadd.s32 v9, v26;
	[tilespmem:v33+s20+$0x0] =	vst.idx.msk $0xffff, v32  }
0x181: {  	v59 =	vmov s12;
	v58 =	vadd.s32 v10, v26;
	[tilespmem:v52+s20+$0x0] =	vst.idx.msk $0xffff, v23  }
0x182: {  	v24 =	vand.u32 $0x7F, v59;
	v60 =	vadd.s32 v11, v26;
	[tilespmem:v53+s20+$0x0] =	vst.idx.msk $0xffff, v21  }
0x183: {  	v61 =	vadd.s32 v5, v24;
	[tilespmem:v55+s20+$0x0] =	vst.idx.msk $0xffff, v20  }
0x184: {  	v62 =	vadd.s32 v9, v24;
	[tilespmem:v56+s20+$0x0] =	vst.idx.msk $0xffff, v19  }
0x185: {  	[tilespmem:v57+s20+$0x0] =	vst.idx.msk $0xffff, v18  }
0x186: {  	[tilespmem:v58+s20+$0x0] =	vst.idx.msk $0xffff, v17  }
0x187: {  	v63 =	vadd.s32 v10, v24;
	[tilespmem:v60+s20+$0x0] =	vst.idx.msk $0xffff, v16  }
0x188: {  	[tilespmem:v61+s20+$0x0] =	vst.idx.msk $0xffff, v15  }
0x189: {  	[tilespmem:v62+s20+$0x0] =	vst.idx.msk $0xffff, v13;
	v13 =	vadd.s32 v11, v24;
	_ =	sdelay $0x2  }
0x18a: {  	s1 =	simm.s32 $0x4;
	[tilespmem:v63+s20+$0x0] =	vst.idx.msk $0xffff, v14  }
.LBB2_17:
0x18b: {  	p1 =	sne.s32 s1, $0x7C  }
0x18c: {  	[tilespmem:v13+s20+$0x0] =	vst.idx.msk $0xffff, v12;
	s31 =	sadd.s32 $0x100, s31;
	s0 =	smov.u32 s1;
	s1 =	sadd.s32 $0x4, s1  }
0x18d: {  	v12 =	vld [tilespmem:s31+$0x70]  }
0x18e: {  	v14 =	vld [tilespmem:s31+$0x60]  }
0x18f: {  	v15 =	vld [tilespmem:s31+$0x50]  }
0x190: {  	v16 =	vld [tilespmem:s31+$0x40]  }
0x191: {  	v17 =	vld [tilespmem:s31+$0x30]  }
0x192: {  	v13 =	vld [tilespmem:s31+$0x20]  }
0x193: {  	v18 =	vld [tilespmem:s31+$0x10]  }
0x194: {  	v19 =	vld [tilespmem:s31+$0x0]  }
0x195: {  	v20 =	vld [tilespmem:s31+$0xFFFFFFF0]  }
0x196: {  	v22 =	vmov s0;
	v21 =	vld [tilespmem:s31+$0xFFFFFFE0]  }
0x197: {  	v22 =	vand.u32 $0x7C, v22;
	v23 =	vld [tilespmem:s31+$0xFFFFFFD0]  }
0x198: {  	v25 =	vadd.s32 v5, v22;
	v24 =	vld [tilespmem:s31+$0xFFFFFF80]  }
0x199: {  	s5 =	sadd.s32 $0x1, s0;
	v27 =	vadd.s32 v9, v22;
	v26 =	vld [tilespmem:s31+$0xFFFFFF90]  }
0x19a: {  	v30 =	vmov s5;
	v29 =	vadd.s32 v10, v22;
	v28 =	vld [tilespmem:s31+$0xFFFFFFA0]  }
0x19b: {  	v22 =	vadd.s32 v11, v22;
	v30 =	vand.u32 $0x7D, v30;
	v31 =	vld [tilespmem:s31+$0xFFFFFFB0]  }
0x19c: {  	v33 =	vadd.s32 v5, v30;
	v32 =	vld [tilespmem:s31+$0xFFFFFFC0]  }
0x19d: {  	s5 =	sadd.s32 $0x2, s0;
	[tilespmem:v25+s20+$0x0] =	vst.idx.msk $0xffff, v24;
	v24 =	vadd.s32 v9, v30  }
0x19e: {  	v25 =	vadd.s32 v10, v30;
	[tilespmem:v27+s20+$0x0] =	vst.idx.msk $0xffff, v26;
	v26 =	vmov s5  }
0x19f: {  	v27 =	vadd.s32 v11, v30;
	[tilespmem:v29+s20+$0x0] =	vst.idx.msk $0xffff, v28;
	v26 =	vand.u32 $0x7E, v26  }
0x1a0: {  	[tilespmem:v22+s20+$0x0] =	vst.idx.msk $0xffff, v31;
	v22 =	vadd.s32 v5, v26  }
0x1a1: {  	s0 =	sadd.s32 $0x3, s0;
	v28 =	vadd.s32 v9, v26;
	[tilespmem:v33+s20+$0x0] =	vst.idx.msk $0xffff, v32  }
0x1a2: {  	[tilespmem:v24+s20+$0x0] =	vst.idx.msk $0xffff, v23;
	v23 =	vadd.s32 v10, v26;
	v24 =	vmov s0  }
0x1a3: {  	[tilespmem:v25+s20+$0x0] =	vst.idx.msk $0xffff, v21;
	v21 =	vadd.s32 v11, v26;
	v24 =	vand.u32 $0x7F, v24  }
0x1a4: {  	[tilespmem:v27+s20+$0x0] =	vst.idx.msk $0xffff, v20;
	v20 =	vadd.s32 v5, v24  }
0x1a5: {  	[tilespmem:v22+s20+$0x0] =	vst.idx.msk $0xffff, v19;
	v19 =	vadd.s32 v9, v24  }
0x1a6: {  	[tilespmem:v28+s20+$0x0] =	vst.idx.msk $0xffff, v18;
	v18 =	vadd.s32 v10, v24  }
.Ltmp8:
0x1a7: {  	[tilespmem:v23+s20+$0x0] =	vst.idx.msk $0xffff, v13;
	v13 =	vadd.s32 v11, v24;
	(pc) =	sbr.rel @p1 .LBB2_17-.Ltmp8, $4  }
0x1a8: {  	[tilespmem:v21+s20+$0x0] =	vst.idx.msk $0xffff, v17  }
0x1a9: {  	[tilespmem:v20+s20+$0x0] =	vst.idx.msk $0xffff, v16  }
0x1aa: {  	[tilespmem:v19+s20+$0x0] =	vst.idx.msk $0xffff, v15  }
0x1ab: {  	[tilespmem:v18+s20+$0x0] =	vst.idx.msk $0xffff, v14  }
0x1ac: {  	_ = 	snop  }
0x1ad: {  	s0 =	sshll.u32 s30, $0x12  }
0x1ae: {  	s0 =	sor.u32 s6, s0  }
0x1af: {  	s0 =	sshrl.u32 s0, $0x3  }
0x1b0: {  	[tilespmem:v13+s20+$0x0] =	vst.idx.msk $0xffff, v12;
	s1 =	simm.s32 $0x18C00;
	s9 =	sadd.s32 s2, s0  }
0x1b1: {  	[hbm4b:s9+s3] =	stream.linear.scatter [tilespmem:s1], [sflag:$0x5], $0x80, $0x38;
	[tilespmem:$0x1D000] =	vst v63  }
0x1b2: {  	s5 =	simm.s32 $0x18C88;
	s1 =	sadd.s32 $0x10, s9  }
0x1b3: {  	[hbm4b:s1+s3] =	stream.linear.scatter [tilespmem:s5], [sflag:$0x5], $0x80, $0x38;
	[tilespmem:$0x1D000] =	vst v63  }
0x1b4: {  	s12 =	simm.s32 $0x18D10;
	s31 =	sadd.s32 $0x20, s9  }
0x1b5: {  	[hbm4b:s31+s3] =	stream.linear.scatter [tilespmem:s12], [sflag:$0x5], $0x80, $0x38;
	[tilespmem:$0x1D000] =	vst v63  }
0x1b6: {  	s1 =	simm.s32 $0x18D98;
	s5 =	sadd.s32 $0x30, s9  }
0x1b7: {  	[hbm4b:s5+s3] =	stream.linear.scatter [tilespmem:s1], [sflag:$0x5], $0x80, $0x38;
	[tilespmem:$0x1D000] =	vst v63  }
0x1b8: {  	s12 =	simm.s32 $0x18E20;
	s31 =	sadd.s32 $0x40, s9  }
0x1b9: {  	[hbm4b:s31+s3] =	stream.linear.scatter [tilespmem:s12], [sflag:$0x5], $0x80, $0x38;
	[tilespmem:$0x1D000] =	vst v63  }
0x1ba: {  	s0 =	simm.s32 $0x2200;
	s1 =	simm.s32 $0x18EA8;
	s5 =	sadd.s32 $0x50, s9  }
0x1bb: {  	[hbm4b:s5+s3] =	stream.linear.scatter [tilespmem:s1], [sflag:$0x5], $0x80, $0x38;
	[tilespmem:$0x1D000] =	vst v63  }
0x1bc: {  	s30 =	sadd.s32 $0x1000, s9;
	s12 =	simm.s32 $0x18F30;
	s31 =	sadd.s32 $0x60, s9  }
0x1bd: {  	[hbm4b:s31+s3] =	stream.linear.scatter [tilespmem:s12], [sflag:$0x5], $0x80, $0x38;
	[tilespmem:$0x1D000] =	vst v63  }
0x1be: {  	s1 =	simm.s32 $0x440;
	s5 =	sadd.s32 $0x70, s9;
	s12 =	simm.s32 $0x18FB8  }
.LBB2_19:
0x1bf: {  	[hbm4b:s5+s3] =	stream.linear.scatter [tilespmem:s12], [sflag:$0x5], $0x80, $0x38;
	[tilespmem:$0x1D000] =	vst v63  }
0x1c0: {  	s5 =	smov.u32 s1;
	s1 =	smov.u32 s0  }
0x1c1: {  	s9 =	sadd.s32 $0x1100, s0;
	s1 =	sshra.s32 s1, $0x2;
	s12 =	sadd.s32 $0x18C00, s5  }
0x1c2: {  	[hbm4b:s30+s3] =	stream.linear.scatter [tilespmem:s12], [sflag:$0x5], $0x80, $0x38;
	[tilespmem:$0x1D000] =	vst v63  }
0x1c3: {  	p1 =	sne.s32 s0, $0x7700;
	s0 =	sadd.s32 $0x18C88, s5;
	s12 =	sadd.s32 $0x10, s30  }
0x1c4: {  	[hbm4b:s12+s3] =	stream.linear.scatter [tilespmem:s0], [sflag:$0x5], $0x80, $0x38;
	[tilespmem:$0x1D000] =	vst v63  }
0x1c5: {  	s0 =	sadd.s32 $0x18D10, s5;
	s12 =	sadd.s32 $0x20, s30  }
0x1c6: {  	[hbm4b:s12+s3] =	stream.linear.scatter [tilespmem:s0], [sflag:$0x5], $0x80, $0x38;
	[tilespmem:$0x1D000] =	vst v63  }
0x1c7: {  	s0 =	sadd.s32 $0x18D98, s5;
	s12 =	sadd.s32 $0x30, s30  }
0x1c8: {  	[hbm4b:s12+s3] =	stream.linear.scatter [tilespmem:s0], [sflag:$0x5], $0x80, $0x38;
	[tilespmem:$0x1D000] =	vst v63  }
0x1c9: {  	s0 =	sadd.s32 $0x18E20, s5;
	s12 =	sadd.s32 $0x40, s30  }
0x1ca: {  	[hbm4b:s12+s3] =	stream.linear.scatter [tilespmem:s0], [sflag:$0x5], $0x80, $0x38;
	[tilespmem:$0x1D000] =	vst v63  }
0x1cb: {  	s0 =	sadd.s32 $0x18EA8, s5;
	s12 =	sadd.s32 $0x50, s30  }
0x1cc: {  	[hbm4b:s12+s3] =	stream.linear.scatter [tilespmem:s0], [sflag:$0x5], $0x80, $0x38;
	[tilespmem:$0x1D000] =	vst v63  }
.Ltmp9:
0x1cd: {  	_ = 	snop;
	(pc) =	sbr.rel @p1 .LBB2_19-.Ltmp9, $4  }
0x1ce: {  	s0 =	sadd.s32 $0x18F30, s5;
	s12 =	sadd.s32 $0x60, s30  }
0x1cf: {  	[hbm4b:s12+s3] =	stream.linear.scatter [tilespmem:s0], [sflag:$0x5], $0x80, $0x38;
	[tilespmem:$0x1D000] =	vst v63  }
0x1d0: {  	s12 =	sadd.s32 $0x18FB8, s5  }
0x1d1: {  	s5 =	sadd.s32 $0x70, s30;
	s30 =	sadd.s32 $0x1000, s30;
	s0 =	smov.u32 s9  }
0x1d2: {  	[hbm4b:s5+s3] =	stream.linear.scatter [tilespmem:s12], [sflag:$0x5], $0x80, $0x38;
	[tilespmem:$0x1D000] =	vst v63  }
0x1d3: {  	s0 =	sadd.s32 $0x18C00, s1  }
0x1d4: {  	[hbm4b:s30+s3] =	stream.linear.scatter [tilespmem:s0], [sflag:$0x5], $0x80, $0x38;
	[tilespmem:$0x1D000] =	vst v63  }
0x1d5: {  	s12 =	sadd.s32 $0x18C88, s1;
	s31 =	sadd.s32 $0x10, s30  }
0x1d6: {  	[hbm4b:s31+s3] =	stream.linear.scatter [tilespmem:s12], [sflag:$0x5], $0x80, $0x38;
	[tilespmem:$0x1D000] =	vst v63  }
0x1d7: {  	s5 =	sadd.s32 $0x18D10, s1;
	s9 =	sadd.s32 $0x20, s30  }
0x1d8: {  	[hbm4b:s9+s3] =	stream.linear.scatter [tilespmem:s5], [sflag:$0x5], $0x80, $0x38;
	[tilespmem:$0x1D000] =	vst v63  }
0x1d9: {  	s12 =	sadd.s32 $0x18D98, s1;
	s31 =	sadd.s32 $0x30, s30  }
0x1da: {  	[hbm4b:s31+s3] =	stream.linear.scatter [tilespmem:s12], [sflag:$0x5], $0x80, $0x38;
	[tilespmem:$0x1D000] =	vst v63  }
0x1db: {  	s5 =	sadd.s32 $0x18E20, s1;
	s9 =	sadd.s32 $0x40, s30  }
0x1dc: {  	[hbm4b:s9+s3] =	stream.linear.scatter [tilespmem:s5], [sflag:$0x5], $0x80, $0x38;
	[tilespmem:$0x1D000] =	vst v63  }
0x1dd: {  	s12 =	sadd.s32 $0x18EA8, s1;
	s31 =	sadd.s32 $0x50, s30  }
0x1de: {  	[hbm4b:s31+s3] =	stream.linear.scatter [tilespmem:s12], [sflag:$0x5], $0x80, $0x38;
	[tilespmem:$0x1D000] =	vst v63  }
0x1df: {  	s5 =	sadd.s32 $0x18F30, s1;
	s9 =	sadd.s32 $0x60, s30  }
0x1e0: {  	[hbm4b:s9+s3] =	stream.linear.scatter [tilespmem:s5], [sflag:$0x5], $0x80, $0x38;
	[tilespmem:$0x1D000] =	vst v63  }
0x1e1: {  	s0 =	simm.s32 @!p0 $0x6;
	s12 =	sadd.s32 $0x18FB8, s1;
	s31 =	sadd.s32 $0x70, s30  }
0x1e2: {  	[hbm4b:s31+s3] =	stream.linear.scatter [tilespmem:s12], [sflag:$0x5], $0x80, $0x38;
	[tilespmem:$0x1D000] =	vst v63  }
0x1e3: {  	_ =	swait.ge @!p0 [sflag:s0], $0x2000  }
0x1e4: {  	[sflag:s0] =	ssyncset.done @!p0 $0x0  }
0x1e5: {  	s30 =	simm.s32 $0x128F0;
	[sflag:s0] =	ssyncadd.s32 @!p0 $0xFFFFE000  }
0x1e6: {  	v12 =	vld [tilespmem:s30+$0x0]  }
0x1e7: {  	v14 =	vld [tilespmem:s30+$0xFFFFFFF0]  }
0x1e8: {  	v13 =	vld [tilespmem:s30+$0xFFFFFFE0]  }
0x1e9: {  	v15 =	vld [tilespmem:s30+$0xFFFFFFD0]  }
0x1ea: {  	v16 =	vld [tilespmem:s30+$0xFFFFFFC0]  }
0x1eb: {  	v17 =	vld [tilespmem:s30+$0xFFFFFFB0]  }
0x1ec: {  	v18 =	vld [tilespmem:s30+$0xFFFFFFA0]  }
0x1ed: {  	s5 =	simm.s32 $0x0;
	v19 =	vld [tilespmem:s30+$0xFFFFFF90]  }
0x1ee: {  	v22 =	vmov s5;
	v20 =	vld [tilespmem:s30+$0xFFFFFF80]  }
0x1ef: {  	v22 =	vand.u32 $0x7C, v22;
	v21 =	vld [tilespmem:s30+$0xFFFFFF70]  }
0x1f0: {  	v25 =	vadd.s32 v5, v22;
	v24 =	vld [tilespmem:s30+$0xFFFFFF10]  }
0x1f1: {  	s9 =	simm.s32 $0x1;
	v27 =	vadd.s32 v9, v22;
	v26 =	vld [tilespmem:s30+$0xFFFFFF20]  }
0x1f2: {  	v30 =	vmov s9;
	v29 =	vadd.s32 v10, v22;
	v28 =	vld [tilespmem:s30+$0xFFFFFF30]  }
0x1f3: {  	v30 =	vand.u32 $0x7D, v30;
	v22 =	vadd.s32 v11, v22;
	v31 =	vld [tilespmem:s30+$0xFFFFFF40]  }
0x1f4: {  	v33 =	vadd.s32 v5, v30;
	v32 =	vld [tilespmem:s30+$0xFFFFFF50]  }
0x1f5: {  	s12 =	simm.s32 $0x2;
	v52 =	vadd.s32 v9, v30;
	v23 =	vld [tilespmem:s30+$0xFFFFFF60];
	[tilespmem:v25+s21+$0x0] =	vst.idx.msk $0xffff, v24  }
0x1f6: {  	v53 =	vadd.s32 v10, v30;
	v54 =	vmov s12;
	[tilespmem:v27+s21+$0x0] =	vst.idx.msk $0xffff, v26  }
0x1f7: {  	v55 =	vadd.s32 v11, v30;
	v26 =	vand.u32 $0x7E, v54;
	[tilespmem:v29+s21+$0x0] =	vst.idx.msk $0xffff, v28  }
0x1f8: {  	v56 =	vadd.s32 v5, v26;
	[tilespmem:v22+s21+$0x0] =	vst.idx.msk $0xffff, v31  }
0x1f9: {  	s31 =	simm.s32 $0x3;
	v57 =	vadd.s32 v9, v26;
	[tilespmem:v33+s21+$0x0] =	vst.idx.msk $0xffff, v32  }
0x1fa: {  	v59 =	vmov s31;
	v58 =	vadd.s32 v10, v26;
	[tilespmem:v52+s21+$0x0] =	vst.idx.msk $0xffff, v23  }
0x1fb: {  	v24 =	vand.u32 $0x7F, v59;
	v60 =	vadd.s32 v11, v26;
	[tilespmem:v53+s21+$0x0] =	vst.idx.msk $0xffff, v21  }
0x1fc: {  	v61 =	vadd.s32 v5, v24;
	[tilespmem:v55+s21+$0x0] =	vst.idx.msk $0xffff, v20  }
0x1fd: {  	v62 =	vadd.s32 v9, v24;
	[tilespmem:v56+s21+$0x0] =	vst.idx.msk $0xffff, v19  }
0x1fe: {  	[tilespmem:v57+s21+$0x0] =	vst.idx.msk $0xffff, v18  }
0x1ff: {  	[tilespmem:v58+s21+$0x0] =	vst.idx.msk $0xffff, v17  }
0x200: {  	v63 =	vadd.s32 v10, v24;
	[tilespmem:v60+s21+$0x0] =	vst.idx.msk $0xffff, v16  }
0x201: {  	[tilespmem:v61+s21+$0x0] =	vst.idx.msk $0xffff, v15  }
0x202: {  	[tilespmem:v62+s21+$0x0] =	vst.idx.msk $0xffff, v13;
	v13 =	vadd.s32 v11, v24;
	_ =	sdelay $0x2  }
0x203: {  	s1 =	simm.s32 $0x4;
	[tilespmem:v63+s21+$0x0] =	vst.idx.msk $0xffff, v14  }
.LBB2_21:
0x204: {  	p0 =	sne.s32 s1, $0x7C  }
0x205: {  	[tilespmem:v13+s21+$0x0] =	vst.idx.msk $0xffff, v12;
	s30 =	sadd.s32 $0x100, s30;
	s0 =	smov.u32 s1;
	s1 =	sadd.s32 $0x4, s1  }
0x206: {  	v12 =	vld [tilespmem:s30+$0x0]  }
0x207: {  	v14 =	vld [tilespmem:s30+$0xFFFFFFF0]  }
0x208: {  	v15 =	vld [tilespmem:s30+$0xFFFFFFE0]  }
0x209: {  	v16 =	vld [tilespmem:s30+$0xFFFFFFD0]  }
0x20a: {  	v17 =	vld [tilespmem:s30+$0xFFFFFFC0]  }
0x20b: {  	v13 =	vld [tilespmem:s30+$0xFFFFFFB0]  }
0x20c: {  	v18 =	vld [tilespmem:s30+$0xFFFFFFA0]  }
0x20d: {  	v19 =	vld [tilespmem:s30+$0xFFFFFF90]  }
0x20e: {  	v20 =	vld [tilespmem:s30+$0xFFFFFF80]  }
0x20f: {  	v22 =	vmov s0;
	v21 =	vld [tilespmem:s30+$0xFFFFFF70]  }
0x210: {  	v22 =	vand.u32 $0x7C, v22;
	v23 =	vld [tilespmem:s30+$0xFFFFFF60]  }
0x211: {  	v25 =	vadd.s32 v5, v22;
	v24 =	vld [tilespmem:s30+$0xFFFFFF10]  }
0x212: {  	s5 =	sadd.s32 $0x1, s0;
	v27 =	vadd.s32 v9, v22;
	v26 =	vld [tilespmem:s30+$0xFFFFFF20]  }
0x213: {  	v30 =	vmov s5;
	v29 =	vadd.s32 v10, v22;
	v28 =	vld [tilespmem:s30+$0xFFFFFF30]  }
0x214: {  	v22 =	vadd.s32 v11, v22;
	v30 =	vand.u32 $0x7D, v30;
	v31 =	vld [tilespmem:s30+$0xFFFFFF40]  }
0x215: {  	v33 =	vadd.s32 v5, v30;
	v32 =	vld [tilespmem:s30+$0xFFFFFF50]  }
0x216: {  	s5 =	sadd.s32 $0x2, s0;
	[tilespmem:v25+s21+$0x0] =	vst.idx.msk $0xffff, v24;
	v24 =	vadd.s32 v9, v30  }
0x217: {  	v25 =	vadd.s32 v10, v30;
	[tilespmem:v27+s21+$0x0] =	vst.idx.msk $0xffff, v26;
	v26 =	vmov s5  }
0x218: {  	v27 =	vadd.s32 v11, v30;
	[tilespmem:v29+s21+$0x0] =	vst.idx.msk $0xffff, v28;
	v26 =	vand.u32 $0x7E, v26  }
0x219: {  	[tilespmem:v22+s21+$0x0] =	vst.idx.msk $0xffff, v31;
	v22 =	vadd.s32 v5, v26  }
0x21a: {  	s0 =	sadd.s32 $0x3, s0;
	v28 =	vadd.s32 v9, v26;
	[tilespmem:v33+s21+$0x0] =	vst.idx.msk $0xffff, v32  }
0x21b: {  	[tilespmem:v24+s21+$0x0] =	vst.idx.msk $0xffff, v23;
	v23 =	vadd.s32 v10, v26;
	v24 =	vmov s0  }
0x21c: {  	[tilespmem:v25+s21+$0x0] =	vst.idx.msk $0xffff, v21;
	v21 =	vadd.s32 v11, v26;
	v24 =	vand.u32 $0x7F, v24  }
0x21d: {  	[tilespmem:v27+s21+$0x0] =	vst.idx.msk $0xffff, v20;
	v20 =	vadd.s32 v5, v24  }
0x21e: {  	[tilespmem:v22+s21+$0x0] =	vst.idx.msk $0xffff, v19;
	v19 =	vadd.s32 v9, v24  }
0x21f: {  	[tilespmem:v28+s21+$0x0] =	vst.idx.msk $0xffff, v18;
	v18 =	vadd.s32 v10, v24  }
.Ltmp10:
0x220: {  	[tilespmem:v23+s21+$0x0] =	vst.idx.msk $0xffff, v13;
	v13 =	vadd.s32 v11, v24;
	(pc) =	sbr.rel @p0 .LBB2_21-.Ltmp10, $4  }
0x221: {  	[tilespmem:v21+s21+$0x0] =	vst.idx.msk $0xffff, v17  }
0x222: {  	[tilespmem:v20+s21+$0x0] =	vst.idx.msk $0xffff, v16  }
0x223: {  	[tilespmem:v19+s21+$0x0] =	vst.idx.msk $0xffff, v15  }
0x224: {  	[tilespmem:v18+s21+$0x0] =	vst.idx.msk $0xffff, v14  }
0x225: {  	_ =	sdelay $0x3  }
0x226: {  	[tilespmem:v13+s21+$0x0] =	vst.idx.msk $0xffff, v12;
	s9 =	sadd.s32 s29, s8;
	s0 =	simm.s32 $0x1AE00  }
0x227: {  	[hbm4b:s9+s3] =	stream.linear.scatter [tilespmem:s0], [sflag:$0x6], $0x80, $0x38;
	[tilespmem:$0x1D000] =	vst v63  }
0x228: {  	s12 =	simm.s32 $0x1AE88;
	s1 =	sadd.s32 $0x10, s9  }
0x229: {  	[hbm4b:s1+s3] =	stream.linear.scatter [tilespmem:s12], [sflag:$0x6], $0x80, $0x38;
	[tilespmem:$0x1D000] =	vst v63  }
0x22a: {  	s30 =	simm.s32 $0x1AF10;
	s5 =	simm.s32 $0x1AF98;
	s31 =	sadd.s32 $0x20, s9  }
0x22b: {  	[hbm4b:s31+s3] =	stream.linear.scatter [tilespmem:s30], [sflag:$0x6], $0x80, $0x38;
	[tilespmem:$0x1D000] =	vst v63  }
0x22c: {  	s0 =	simm.s32 $0x2200;
	s29 =	sadd.s32 $0x1000, s9;
	s12 =	sadd.s32 $0x30, s9  }
0x22d: {  	[hbm4b:s12+s3] =	stream.linear.scatter [tilespmem:s5], [sflag:$0x6], $0x80, $0x38;
	[tilespmem:$0x1D000] =	vst v63  }
0x22e: {  	s1 =	simm.s32 $0x440;
	s30 =	simm.s32 $0x1B020;
	s31 =	sadd.s32 $0x40, s9  }
0x22f: {  	[hbm4b:s31+s3] =	stream.linear.scatter [tilespmem:s30], [sflag:$0x6], $0x80, $0x38;
	[tilespmem:$0x1D000] =	vst v63  }
0x230: {  	s5 =	simm.s32 $0x1B0A8;
	s12 =	sadd.s32 $0x50, s9;
	s30 =	simm.s32 $0x1B130  }
0x231: {  	[hbm4b:s12+s3] =	stream.linear.scatter [tilespmem:s5], [sflag:$0x6], $0x80, $0x38;
	[tilespmem:$0x1D000] =	vst v63  }
0x232: {  	s31 =	sadd.s32 $0x60, s9;
	s12 =	simm.s32 $0x1B1B8;
	s5 =	sadd.s32 $0x70, s9  }
0x233: {  	[hbm4b:s31+s3] =	stream.linear.scatter [tilespmem:s30], [sflag:$0x6], $0x80, $0x38;
	[tilespmem:$0x1D000] =	vst v63  }
.LBB2_23:
0x234: {  	[hbm4b:s5+s3] =	stream.linear.scatter [tilespmem:s12], [sflag:$0x6], $0x80, $0x38;
	[tilespmem:$0x1D000] =	vst v63  }
0x235: {  	s5 =	smov.u32 s1;
	s1 =	smov.u32 s0  }
0x236: {  	s9 =	sadd.s32 $0x1100, s0;
	s1 =	sshra.s32 s1, $0x2;
	s12 =	sadd.s32 $0x1AE00, s5  }
0x237: {  	[hbm4b:s29+s3] =	stream.linear.scatter [tilespmem:s12], [sflag:$0x6], $0x80, $0x38;
	[tilespmem:$0x1D000] =	vst v63  }
0x238: {  	p0 =	sne.s32 s0, $0x7700;
	s0 =	sadd.s32 $0x1AE88, s5;
	s12 =	sadd.s32 $0x10, s29  }
0x239: {  	[hbm4b:s12+s3] =	stream.linear.scatter [tilespmem:s0], [sflag:$0x6], $0x80, $0x38;
	[tilespmem:$0x1D000] =	vst v63  }
0x23a: {  	s0 =	sadd.s32 $0x1AF10, s5;
	s12 =	sadd.s32 $0x20, s29  }
0x23b: {  	[hbm4b:s12+s3] =	stream.linear.scatter [tilespmem:s0], [sflag:$0x6], $0x80, $0x38;
	[tilespmem:$0x1D000] =	vst v63  }
0x23c: {  	s0 =	sadd.s32 $0x1AF98, s5;
	s12 =	sadd.s32 $0x30, s29  }
0x23d: {  	[hbm4b:s12+s3] =	stream.linear.scatter [tilespmem:s0], [sflag:$0x6], $0x80, $0x38;
	[tilespmem:$0x1D000] =	vst v63  }
0x23e: {  	s0 =	sadd.s32 $0x1B020, s5;
	s12 =	sadd.s32 $0x40, s29  }
0x23f: {  	[hbm4b:s12+s3] =	stream.linear.scatter [tilespmem:s0], [sflag:$0x6], $0x80, $0x38;
	[tilespmem:$0x1D000] =	vst v63  }
0x240: {  	s0 =	sadd.s32 $0x1B0A8, s5;
	s12 =	sadd.s32 $0x50, s29  }
0x241: {  	[hbm4b:s12+s3] =	stream.linear.scatter [tilespmem:s0], [sflag:$0x6], $0x80, $0x38;
	[tilespmem:$0x1D000] =	vst v63  }
.Ltmp11:
0x242: {  	_ = 	snop;
	(pc) =	sbr.rel @p0 .LBB2_23-.Ltmp11, $4  }
0x243: {  	s0 =	sadd.s32 $0x1B130, s5;
	s12 =	sadd.s32 $0x60, s29  }
0x244: {  	[hbm4b:s12+s3] =	stream.linear.scatter [tilespmem:s0], [sflag:$0x6], $0x80, $0x38;
	[tilespmem:$0x1D000] =	vst v63  }
0x245: {  	s12 =	sadd.s32 $0x1B1B8, s5  }
0x246: {  	s5 =	sadd.s32 $0x70, s29;
	s29 =	sadd.s32 $0x1000, s29;
	s0 =	smov.u32 s9  }
0x247: {  	[hbm4b:s5+s3] =	stream.linear.scatter [tilespmem:s12], [sflag:$0x6], $0x80, $0x38;
	[tilespmem:$0x1D000] =	vst v63  }
0x248: {  	s0 =	sadd.s32 $0x1AE00, s1  }
0x249: {  	[hbm4b:s29+s3] =	stream.linear.scatter [tilespmem:s0], [sflag:$0x6], $0x80, $0x38;
	[tilespmem:$0x1D000] =	vst v63  }
0x24a: {  	s30 =	sadd.s32 $0x1AE88, s1;
	s31 =	sadd.s32 $0x10, s29  }
0x24b: {  	[hbm4b:s31+s3] =	stream.linear.scatter [tilespmem:s30], [sflag:$0x6], $0x80, $0x38;
	[tilespmem:$0x1D000] =	vst v63  }
0x24c: {  	s9 =	sadd.s32 $0x1AF10, s1;
	s12 =	sadd.s32 $0x20, s29  }
0x24d: {  	[hbm4b:s12+s3] =	stream.linear.scatter [tilespmem:s9], [sflag:$0x6], $0x80, $0x38;
	[tilespmem:$0x1D000] =	vst v63  }
0x24e: {  	s30 =	sadd.s32 $0x1AF98, s1;
	s31 =	sadd.s32 $0x30, s29  }
0x24f: {  	[hbm4b:s31+s3] =	stream.linear.scatter [tilespmem:s30], [sflag:$0x6], $0x80, $0x38;
	[tilespmem:$0x1D000] =	vst v63  }
0x250: {  	s28 =	sadd.s32 $0x1, s28;
	s9 =	sadd.s32 $0x1B020, s1;
	s12 =	sadd.s32 $0x40, s29  }
0x251: {  	[hbm4b:s12+s3] =	stream.linear.scatter [tilespmem:s9], [sflag:$0x6], $0x80, $0x38;
	[tilespmem:$0x1D000] =	vst v63  }
0x252: {  	p0 =	sne.s32 s28, $0x32;
	s30 =	sadd.s32 $0x1B0A8, s1;
	s31 =	sadd.s32 $0x50, s29  }
0x253: {  	[hbm4b:s31+s3] =	stream.linear.scatter [tilespmem:s30], [sflag:$0x6], $0x80, $0x38;
	[tilespmem:$0x1D000] =	vst v63  }
.Ltmp12:
0x254: {  	_ = 	snop;
	(pc) =	sbr.rel @p0 .LBB2_4-.Ltmp12, $4  }
0x255: {  	s9 =	sadd.s32 $0x1B130, s1;
	s12 =	sadd.s32 $0x60, s29  }
0x256: {  	[hbm4b:s12+s3] =	stream.linear.scatter [tilespmem:s9], [sflag:$0x6], $0x80, $0x38;
	[tilespmem:$0x1D000] =	vst v63  }
0x257: {  	s30 =	sadd.s32 $0x1B1B8, s1;
	s31 =	sadd.s32 $0x70, s29  }
0x258: {  	[hbm4b:s31+s3] =	stream.linear.scatter [tilespmem:s30], [sflag:$0x6], $0x80, $0x38;
	[tilespmem:$0x1D000] =	vst v63  }
0x259: {  	_ =	swait.ge [sflag:s22], $0x2000  }
0x25a: {  	[sflag:s22] =	ssyncset.done $0x0  }
0x25b: {  	[sflag:s22] =	ssyncadd.s32 $0xFFFFE000  }
0x25c: {  	_ =	swait.ge [sflag:s23], $0x2000  }
0x25d: {  	[sflag:s23] =	ssyncset.done $0x0  }
0x25e: {  	[sflag:s23] =	ssyncadd.s32 $0xFFFFE000  }
0x25f: {  	_ =	swait.ge [sflag:s19], $0x2000  }
0x260: {  	[sflag:s19] =	ssyncset.done $0x0  }
0x261: {  	[sflag:s19] =	ssyncadd.s32 $0xFFFFE000  }
0x262: {  	_ =	swait.ge [sflag:s24], $0x2000  }
0x263: {  	s25 =	sadd.s32 $0x1, s25;
	s0 =	rddreg [dreg:$0x4]  }
0x264: {  	p0 =	sne.s32 s25, s0  }
.Ltmp13:
0x265: {  	_ = 	snop;
	(pc) =	sbr.rel @p0 .LBB2_1-.Ltmp13, $3  }
0x266: {  	_ =	sdelay $0x1  }
0x267: {  	[sflag:s24] =	ssyncset.done $0x0  }
0x268: {  	[sflag:s24] =	ssyncadd.s32 $0xFFFFE000  }
0x269: {  	_ =	sfence.sel $0x180000  }
0x26a: {  	[bflag:$0x0] =	sbarrier.arrive $0xFFFF  }
0x26b: {  	_ =	strace $0x90000047  }
0x26c: {  	s0 =	stileid.u32;
	[bflag:$0x2] =	sbarrier.arrive $0xFFFF  }
0x26d: {  	p0 =	sne.s32 s0, $0x0;
	s0 =	rddreg [dreg:$0x2]  }
0x26e: {  	s0 =	sadd.s32 @!p0 $0x100000, s0  }
0x26f: {  	[sflag:s0] =	ssyncadd.tile.s32 @!p0 $0x1;
	_ =	shalt  }
.Lfunc_end2:
_tile_overlayer_lowered:
.L_overlay_start_2:
0x270: {  	(tag) =	ssettag $0x2  }
0x271: {  	s0 =	rddreg [dreg:$0x0];
	s2 =	stileid.u32  }
0x272: {  	s1 =	rddreg [dreg:$0x1];
	p0 =	sne.s32 s2, $0x0  }
0x273: {  	s3 =	rddreg [dreg:$0x2];
	[bflag:$0x3] =	sbarrier.arrive $0xFFFF;
	s2 =	simm.s32 @!p0 $0x1C07  }
0x274: {  	[timem:s3], [sflag:s2] =	dma.local @!p0 [hbm:s0], s1  }
0x275: {  	s0 =	simm.s32 @!p0 $0x7  }
0x276: {  	_ =	swait.ge @!p0 [sflag:s0], s1  }
0x277: {  	s1 =	ssub.s32 @!p0 $0x0, s1;
	[sflag:s0] =	ssyncset.done @!p0 $0x0  }
0x278: {  	[sflag:s0] =	ssyncadd.s32 @!p0 s1  }
0x279: {  	[bflag:$0x3] =	sbarrier.arrive $0xFFFF  }
0x27a: {  	_ =	shalt  }

</sc_bundles>
